<compile_context>
chip_gen: v7x
topology: tpu7x:2x2x1
jax: 0.10.2.dev20260603
libtpu: 0.0.44.dev20260713+nightly
codegen_flags: <defaults>
</compile_context>

<pallas_src>
import jax
import jax.numpy as jnp
from jax import lax
from jax.experimental import pallas as pl
from jax.experimental.pallas import tpu as pltpu
from jax.experimental.pallas import tpu_sc as plsc

N_TOK = 64
D = 768
E = 64
H = 768

_F32 = jnp.float32



def _router_body(x_ref, rw_ref, gi01_ref, gi0_ref, gi1_ref, gw0_ref, gw1_ref,
                 aux_ref):
    x = x_ref[...]
    rw = rw_ref[...]
    logits = lax.dot_general(x, rw, (((1,), (1,)), ((), ())),
                             preferred_element_type=_F32)
    m = jnp.max(logits, axis=1, keepdims=True)
    el = jnp.exp(logits - m)
    probs = el / jnp.sum(el, axis=1, keepdims=True)

    lane = lax.broadcasted_iota(jnp.int32, (N_TOK, E), 1)
    v0 = jnp.max(probs, axis=1, keepdims=True)
    i0 = jnp.min(jnp.where(probs == v0, lane, E), axis=1, keepdims=True)
    probs2 = jnp.where(lane == i0, -1.0, probs)
    v1 = jnp.max(probs2, axis=1, keepdims=True)
    i1 = jnp.min(jnp.where(probs2 == v1, lane, E), axis=1, keepdims=True)

    s = v0 + v1
    gi01_ref[0:N_TOK] = i0
    gi01_ref[N_TOK:2 * N_TOK] = i1
    gi0_ref[...] = i0
    gi1_ref[...] = i1
    gw0_ref[...] = v0 / s
    gw1_ref[...] = v1 / s

    one0 = (lane == i0).astype(_F32)
    f = jnp.sum(one0, axis=0, keepdims=True) / N_TOK
    P = jnp.sum(probs, axis=0, keepdims=True) / N_TOK
    aux_ref[...] = jnp.sum(f * P, keepdims=True) * E


def _router(x2d, router_w):
    return pl.pallas_call(
        _router_body,
        out_shape=(
            jax.ShapeDtypeStruct((2 * N_TOK, 1), jnp.int32),
            jax.ShapeDtypeStruct((N_TOK, 1), jnp.int32),
            jax.ShapeDtypeStruct((N_TOK, 1), jnp.int32),
            jax.ShapeDtypeStruct((N_TOK, 1), _F32),
            jax.ShapeDtypeStruct((N_TOK, 1), _F32),
            jax.ShapeDtypeStruct((1, 1), _F32),
        ),
    )(x2d, router_w)



_L = 16
_NV = E // _L
_OUTW = E + _L


def _dispatch_body(gi01_hbm, out_hbm, idx_v, flag_v, ids_v, sem):
    cid = lax.axis_index("c")
    sid = lax.axis_index("s")

    @pl.when((cid == 0) & (sid == 0))
    def _():
        pltpu.sync_copy(gi01_hbm, idx_v)
        zeros = jnp.zeros((_L,), jnp.int32)
        ones = jnp.ones((_L,), jnp.int32)
        for j in range(_NV):
            flag_v[pl.ds(_L * j, _L)] = zeros
        for j in range(2 * N_TOK // _L):
            idx = idx_v[pl.ds(_L * j, _L)]
            idx = jnp.minimum(jnp.maximum(idx, 0), E - 1)
            plsc.store_scatter(flag_v, [idx], ones, mask=ones > 0)
        iota = lax.iota(jnp.int32, _L)
        carry = jnp.int32(0)
        last = jnp.int32(0)
        pos = []
        flags = []
        for j in range(_NV):
            t = flag_v[pl.ds(_L * j, _L)]
            incl = plsc.cumsum(t)
            pos.append(incl - t + carry)
            flags.append(t)
            carry = carry + jnp.sum(t)
            cand = jnp.where(t > 0, iota + _L * j, -1)
            last = jnp.maximum(last, jnp.max(cand))
        for j in range(_NV):
            ids_v[pl.ds(_L * j, _L)] = jnp.full((_L,), last, jnp.int32)
        for j in range(_NV):
            plsc.store_scatter(ids_v, [pos[j]], iota + _L * j,
                               mask=flags[j] > 0)
        ids_v[pl.ds(E, _L)] = jnp.full((_L,), carry, jnp.int32)
        pltpu.async_copy(ids_v, out_hbm, sem).wait()


def _dispatch(gi01):
    mesh = plsc.VectorSubcoreMesh(core_axis_name="c", subcore_axis_name="s")
    f = pl.kernel(
        _dispatch_body,
        out_type=jax.ShapeDtypeStruct((_OUTW,), jnp.int32),
        mesh=mesh,
        scratch_types=[
            pltpu.VMEM((2 * N_TOK,), jnp.int32),
            pltpu.VMEM((E,), jnp.int32),
            pltpu.VMEM((_OUTW,), jnp.int32),
            pltpu.SemaphoreType.DMA,
        ],
        compiler_params=pltpu.CompilerParams(needs_layout_passes=False),
    )
    return f(gi01)



def _swiglu_update(e, x_ref, gi0_ref, gi1_ref, gw0_ref, gw1_ref,
                   w1_ref, w2_ref, w3_ref, out_ref):
    x = x_ref[...]
    w1 = w1_ref[0]
    w2 = w2_ref[0]
    w3 = w3_ref[0]
    h1 = lax.dot_general(x, w1, (((1,), (1,)), ((), ())),
                         preferred_element_type=_F32)
    h2 = lax.dot_general(x, w2, (((1,), (1,)), ((), ())),
                         preferred_element_type=_F32)
    h = h1 * jax.nn.sigmoid(h1) * h2
    y = lax.dot_general(h, w3, (((1,), (1,)), ((), ())),
                        preferred_element_type=_F32)
    g = (jnp.where(gi0_ref[...] == e, gw0_ref[...], 0.0)
         + jnp.where(gi1_ref[...] == e, gw1_ref[...], 0.0))
    out_ref[...] += g * y


def _expert_body(ids_ref, x_ref, gi0_ref, gi1_ref, gw0_ref, gw1_ref,
                 w1_ref, w2_ref, w3_ref, out_ref):
    i = pl.program_id(0)

    @pl.when(i == 0)
    def _():
        out_ref[...] = jnp.zeros_like(out_ref)

    _swiglu_update(ids_ref[i], x_ref, gi0_ref, gi1_ref, gw0_ref, gw1_ref,
                   w1_ref, w2_ref, w3_ref, out_ref)


def _experts(cnt, ids, x2d, gi0, gi1, gw0, gw1, w1, w2, w3):
    full = lambda i, ids_ref: (0, 0)
    wmap = lambda i, ids_ref: (ids_ref[i], 0, 0)
    grid_spec = pltpu.PrefetchScalarGridSpec(
        num_scalar_prefetch=1,
        grid=(cnt,),
        in_specs=[
            pl.BlockSpec((N_TOK, D), full),
            pl.BlockSpec((N_TOK, 1), full),
            pl.BlockSpec((N_TOK, 1), full),
            pl.BlockSpec((N_TOK, 1), full),
            pl.BlockSpec((N_TOK, 1), full),
            pl.BlockSpec((1, H, D), wmap),
            pl.BlockSpec((1, H, D), wmap),
            pl.BlockSpec((1, D, H), wmap),
        ],
        out_specs=pl.BlockSpec((N_TOK, D), full),
    )
    return pl.pallas_call(
        _expert_body,
        grid_spec=grid_spec,
        out_shape=jax.ShapeDtypeStruct((N_TOK, D), _F32),
    )(ids, x2d, gi0, gi1, gw0, gw1, w1, w2, w3)


def kernel(x, router_w, w1, w2, w3):
    B, T, Dm = x.shape
    x2d = x.reshape(B * T, Dm)
    gi01, gi0, gi1, gw0, gw1, aux = _router(x2d, router_w)
    idscnt = _dispatch(gi01.reshape(2 * N_TOK))
    out = _experts(idscnt[E], idscnt, x2d, gi0, gi1, gw0, gw1, w1, w2, w3)
    return out.reshape(B, T, Dm), aux[0, 0]

# --- scband reference (transcript-rebuilt; emitter-appended) ---
"""Pipeline reference for scband-ternary-mo-efeed-forward-75067438400006 (READ-ONLY COPY).

The authoritative reference and input builder live on the scoring server;
editing this copy changes nothing except your own understanding.
"""

import jax, jax.numpy as jnp
import numpy as np

D_MODEL = 768
FFN_MULT = 1
N_EXPERTS = 64
TOP_K = 2
D_HIDDEN = FFN_MULT * D_MODEL
B, T = 8, 8


def _ternary(key, shape, thresh=0.7, scale=0.02):
    # TernaryPackedLinear: weights quantized to {-1, 0, +1} times a per-layer scale.
    w = jax.random.normal(key, shape, dtype=jnp.float32)
    t = jnp.sign(w) * (jnp.abs(w) > thresh).astype(jnp.float32)
    return scale * t


def setup_inputs(seed: int = 0) -> dict:
    key = jax.random.key(seed)
    ks = jax.random.split(key, 5)
    x = jax.random.normal(ks[0], (B, T, D_MODEL), dtype=jnp.float32)
    router_w = jax.random.normal(ks[1], (N_EXPERTS, D_MODEL), dtype=jnp.float32) * 0.02
    # stacked per-expert ternary weights: w1/w2: [E, H, D], w3: [E, D, H]
    w1 = _ternary(ks[2], (N_EXPERTS, D_HIDDEN, D_MODEL))
    w2 = _ternary(ks[3], (N_EXPERTS, D_HIDDEN, D_MODEL))
    w3 = _ternary(ks[4], (N_EXPERTS, D_MODEL, D_HIDDEN))
    return {"x": x, "router_w": router_w, "w1": w1, "w2": w2, "w3": w3}


def reference(x, router_w, w1, w2, w3):
    Bx, Tx, D = x.shape
    N = Bx * Tx
    xf = x.reshape(N, D)
    # TopExpertsRouter: linear -> softmax -> top-k, renormalized combine weights
    logits = xf @ router_w.T                      # [N, E]
    probs = jax.nn.softmax(logits, axis=-1)       # [N, E]
    top_vals, top_idx = jax.lax.top_k(probs, TOP_K)  # [N, K]
    weights = top_vals / jnp.sum(top_vals, axis=-1, keepdims=True)
    # gate[n, e] = sum_k weights[n, k] * 1[top_idx[n, k] == e]
    onehot = jax.nn.one_hot(top_idx, N_EXPERTS, dtype=xf.dtype)  # [N, K, E]
    gate = jnp.einsum('nk,nke->ne', weights, onehot)             # [N, E]
    # TernarySwiGLU (depth=1) applied per expert; dense masked-compute formulation
    h1 = jnp.einsum('nd,ehd->neh', xf, w1)        # [N, E, H]
    h2 = jnp.einsum('nd,ehd->neh', xf, w2)        # [N, E, H]
    h = jax.nn.silu(h1) * h2
    y = jnp.einsum('neh,edh->ned', h, w3)         # [N, E, D]
    out = jnp.einsum('ne,ned->nd', gate, y)       # [N, D]
    out = out.reshape(Bx, Tx, D)
    # dropout is identity in eval mode
    # moe_load_balancing_loss (Switch-style): E * sum(frac_top1 * mean_prob)
    top1 = top_idx[:, 0]
    f = jnp.mean(jax.nn.one_hot(top1, N_EXPERTS, dtype=probs.dtype), axis=0)
    P = jnp.mean(probs, axis=0)
    aux_loss = N_EXPERTS * jnp.sum(f * P)
    return out, aux_loss

if __name__ == "__main__":
    import jax
    _d = setup_inputs()
    print(jax.jit(kernel)(*tuple(_d.values())))

</pallas_src>

<mosaic_0001>
#map = affine_map<(d0, d1) -> (0)>
module attributes {stable_mosaic.version = 14 : i64} {
  func.func @_dispatch_body(%arg0: i32, %arg1: i32, %arg2: memref<128xi32, #tpu.memory_space<hbm>>, %arg3: memref<80xi32, #tpu.memory_space<hbm>>, %arg4: memref<128xi32, #tpu.memory_space<vmem>>, %arg5: memref<64xi32, #tpu.memory_space<vmem>>, %arg6: memref<80xi32, #tpu.memory_space<vmem>>, %arg7: memref<!tpu.dma_semaphore, #tpu.memory_space<semaphore_mem>>) attributes {dimension_semantics = [#tpu.dimension_semantics<core_parallel>, #tpu.dimension_semantics<subcore_parallel>], iteration_bounds = array<i64: 2, 16>, scalar_prefetch = 0 : i64, scratch_operands = 4 : i64, tpu.core_type = #tpu.core_type<sc_vector_subcore>, window_params = [{transform_indices = #map}, {transform_indices = #map}]} {
    %eq3A = arith.constant 0 : i32
    %eq3A_0 = arith.cmpi eq, %arg0, %eq3A : i32
    %eq3A_1 = arith.constant 0 : i32
    %eq3A_2 = arith.cmpi eq, %arg1, %eq3A_1 : i32
    %and3A = arith.andi %eq3A_0, %eq3A_2 : i1
    %convert_element_type3A = arith.extui %and3A : i1 to i32
    %cond3A = arith.constant 0 : i32
    %cond3A_3 = arith.cmpi ne, %convert_element_type3A, %cond3A : i32
    scf.if %cond3A_3 {
      "tpu.region"() ({
        %run_scoped3A = tpu.sem_alloc : memref<!tpu.dma_semaphore, #tpu.memory_space<semaphore_mem>>
        tpu.enqueue_dma source(%arg2 : memref<128xi32, #tpu.memory_space<hbm>>) target(%arg4 : memref<128xi32, #tpu.memory_space<vmem>>) target_semaphore(%run_scoped3A : memref<!tpu.dma_semaphore, #tpu.memory_space<semaphore_mem>>)
        tpu.wait_dma2 semaphore(%run_scoped3A : memref<!tpu.dma_semaphore, #tpu.memory_space<semaphore_mem>>) src(%arg2 : memref<128xi32, #tpu.memory_space<hbm>>) dst(%arg4 : memref<128xi32, #tpu.memory_space<vmem>>)
        tpu.yield
      }) : () -> ()
      %broadcast_in_dim3A = arith.constant 0 : i32
      %broadcast_in_dim3A_4 = vector.broadcast %broadcast_in_dim3A : i32 to vector<16xi32>
      %broadcast_in_dim3A_5 = arith.constant 1 : i32
      %broadcast_in_dim3A_6 = vector.broadcast %broadcast_in_dim3A_5 : i32 to vector<16xi32>
      %swap3A = arith.constant 0 : index
      %swap3A_7 = tpu.vector_load %arg5[%swap3A] {strides = array<i32>} : memref<64xi32, #tpu.memory_space<vmem>>, vector<16xi32>,
      tpu.vector_store %arg5[%swap3A], %broadcast_in_dim3A_4 {strides = array<i32>} : memref<64xi32, #tpu.memory_space<vmem>>, vector<16xi32>,
      %swap3A_8 = arith.constant 16 : index
      %swap3A_9 = tpu.vector_load %arg5[%swap3A_8] {strides = array<i32>} : memref<64xi32, #tpu.memory_space<vmem>>, vector<16xi32>,
      tpu.vector_store %arg5[%swap3A_8], %broadcast_in_dim3A_4 {strides = array<i32>} : memref<64xi32, #tpu.memory_space<vmem>>, vector<16xi32>,
      %swap3A_10 = arith.constant 32 : index
      %swap3A_11 = tpu.vector_load %arg5[%swap3A_10] {strides = array<i32>} : memref<64xi32, #tpu.memory_space<vmem>>, vector<16xi32>,
      tpu.vector_store %arg5[%swap3A_10], %broadcast_in_dim3A_4 {strides = array<i32>} : memref<64xi32, #tpu.memory_space<vmem>>, vector<16xi32>,
      %swap3A_12 = arith.constant 48 : index
      %swap3A_13 = tpu.vector_load %arg5[%swap3A_12] {strides = array<i32>} : memref<64xi32, #tpu.memory_space<vmem>>, vector<16xi32>,
      tpu.vector_store %arg5[%swap3A_12], %broadcast_in_dim3A_4 {strides = array<i32>} : memref<64xi32, #tpu.memory_space<vmem>>, vector<16xi32>,
      %get3A = arith.constant 0 : index
      %get3A_14 = tpu.vector_load %arg4[%get3A] {strides = array<i32>} : memref<128xi32, #tpu.memory_space<vmem>>, vector<16xi32>,
      %max3A = arith.constant 0 : i32
      %max3A_15 = vector.broadcast %max3A : i32 to vector<16xi32>
      %max3A_16 = arith.maxsi %get3A_14, %max3A_15 : vector<16xi32>
      %min3A = arith.constant 63 : i32
      %min3A_17 = vector.broadcast %min3A : i32 to vector<16xi32>
      %min3A_18 = arith.minsi %max3A_16, %min3A_17 : vector<16xi32>
      %gt3A = arith.constant 0 : i32
      %gt3A_19 = vector.broadcast %gt3A : i32 to vector<16xi32>
      %gt3A_20 = arith.cmpi sgt, %broadcast_in_dim3A_6, %gt3A_19 : vector<16xi32>
      tpu.vector_store_idx %arg5[%min3A_18], %broadcast_in_dim3A_6 masked %gt3A_20 : memref<64xi32, #tpu.memory_space<vmem>>[vector<16xi32>], vector<16xi32>, vector<16xi1>
      %get3A_21 = arith.constant 16 : index
      %get3A_22 = tpu.vector_load %arg4[%get3A_21] {strides = array<i32>} : memref<128xi32, #tpu.memory_space<vmem>>, vector<16xi32>,
      %max3A_23 = arith.constant 0 : i32
      %max3A_24 = vector.broadcast %max3A_23 : i32 to vector<16xi32>
      %max3A_25 = arith.maxsi %get3A_22, %max3A_24 : vector<16xi32>
      %min3A_26 = arith.constant 63 : i32
      %min3A_27 = vector.broadcast %min3A_26 : i32 to vector<16xi32>
      %min3A_28 = arith.minsi %max3A_25, %min3A_27 : vector<16xi32>
      %gt3A_29 = arith.constant 0 : i32
      %gt3A_30 = vector.broadcast %gt3A_29 : i32 to vector<16xi32>
      %gt3A_31 = arith.cmpi sgt, %broadcast_in_dim3A_6, %gt3A_30 : vector<16xi32>
      tpu.vector_store_idx %arg5[%min3A_28], %broadcast_in_dim3A_6 masked %gt3A_31 : memref<64xi32, #tpu.memory_space<vmem>>[vector<16xi32>], vector<16xi32>, vector<16xi1>
      %get3A_32 = arith.constant 32 : index
      %get3A_33 = tpu.vector_load %arg4[%get3A_32] {strides = array<i32>} : memref<128xi32, #tpu.memory_space<vmem>>, vector<16xi32>,
      %max3A_34 = arith.constant 0 : i32
      %max3A_35 = vector.broadcast %max3A_34 : i32 to vector<16xi32>
      %max3A_36 = arith.maxsi %get3A_33, %max3A_35 : vector<16xi32>
      %min3A_37 = arith.constant 63 : i32
      %min3A_38 = vector.broadcast %min3A_37 : i32 to vector<16xi32>
      %min3A_39 = arith.minsi %max3A_36, %min3A_38 : vector<16xi32>
      %gt3A_40 = arith.constant 0 : i32
      %gt3A_41 = vector.broadcast %gt3A_40 : i32 to vector<16xi32>
      %gt3A_42 = arith.cmpi sgt, %broadcast_in_dim3A_6, %gt3A_41 : vector<16xi32>
      tpu.vector_store_idx %arg5[%min3A_39], %broadcast_in_dim3A_6 masked %gt3A_42 : memref<64xi32, #tpu.memory_space<vmem>>[vector<16xi32>], vector<16xi32>, vector<16xi1>
      %get3A_43 = arith.constant 48 : index
      %get3A_44 = tpu.vector_load %arg4[%get3A_43] {strides = array<i32>} : memref<128xi32, #tpu.memory_space<vmem>>, vector<16xi32>,
      %max3A_45 = arith.constant 0 : i32
      %max3A_46 = vector.broadcast %max3A_45 : i32 to vector<16xi32>
      %max3A_47 = arith.maxsi %get3A_44, %max3A_46 : vector<16xi32>
      %min3A_48 = arith.constant 63 : i32
      %min3A_49 = vector.broadcast %min3A_48 : i32 to vector<16xi32>
      %min3A_50 = arith.minsi %max3A_47, %min3A_49 : vector<16xi32>
      %gt3A_51 = arith.constant 0 : i32
      %gt3A_52 = vector.broadcast %gt3A_51 : i32 to vector<16xi32>
      %gt3A_53 = arith.cmpi sgt, %broadcast_in_dim3A_6, %gt3A_52 : vector<16xi32>
      tpu.vector_store_idx %arg5[%min3A_50], %broadcast_in_dim3A_6 masked %gt3A_53 : memref<64xi32, #tpu.memory_space<vmem>>[vector<16xi32>], vector<16xi32>, vector<16xi1>
      %get3A_54 = arith.constant 64 : index
      %get3A_55 = tpu.vector_load %arg4[%get3A_54] {strides = array<i32>} : memref<128xi32, #tpu.memory_space<vmem>>, vector<16xi32>,
      %max3A_56 = arith.constant 0 : i32
      %max3A_57 = vector.broadcast %max3A_56 : i32 to vector<16xi32>
      %max3A_58 = arith.maxsi %get3A_55, %max3A_57 : vector<16xi32>
      %min3A_59 = arith.constant 63 : i32
      %min3A_60 = vector.broadcast %min3A_59 : i32 to vector<16xi32>
      %min3A_61 = arith.minsi %max3A_58, %min3A_60 : vector<16xi32>
      %gt3A_62 = arith.constant 0 : i32
      %gt3A_63 = vector.broadcast %gt3A_62 : i32 to vector<16xi32>
      %gt3A_64 = arith.cmpi sgt, %broadcast_in_dim3A_6, %gt3A_63 : vector<16xi32>
      tpu.vector_store_idx %arg5[%min3A_61], %broadcast_in_dim3A_6 masked %gt3A_64 : memref<64xi32, #tpu.memory_space<vmem>>[vector<16xi32>], vector<16xi32>, vector<16xi1>
      %get3A_65 = arith.constant 80 : index
      %get3A_66 = tpu.vector_load %arg4[%get3A_65] {strides = array<i32>} : memref<128xi32, #tpu.memory_space<vmem>>, vector<16xi32>,
      %max3A_67 = arith.constant 0 : i32
      %max3A_68 = vector.broadcast %max3A_67 : i32 to vector<16xi32>
      %max3A_69 = arith.maxsi %get3A_66, %max3A_68 : vector<16xi32>
      %min3A_70 = arith.constant 63 : i32
      %min3A_71 = vector.broadcast %min3A_70 : i32 to vector<16xi32>
      %min3A_72 = arith.minsi %max3A_69, %min3A_71 : vector<16xi32>
      %gt3A_73 = arith.constant 0 : i32
      %gt3A_74 = vector.broadcast %gt3A_73 : i32 to vector<16xi32>
      %gt3A_75 = arith.cmpi sgt, %broadcast_in_dim3A_6, %gt3A_74 : vector<16xi32>
      tpu.vector_store_idx %arg5[%min3A_72], %broadcast_in_dim3A_6 masked %gt3A_75 : memref<64xi32, #tpu.memory_space<vmem>>[vector<16xi32>], vector<16xi32>, vector<16xi1>
      %get3A_76 = arith.constant 96 : index
      %get3A_77 = tpu.vector_load %arg4[%get3A_76] {strides = array<i32>} : memref<128xi32, #tpu.memory_space<vmem>>, vector<16xi32>,
      %max3A_78 = arith.constant 0 : i32
      %max3A_79 = vector.broadcast %max3A_78 : i32 to vector<16xi32>
      %max3A_80 = arith.maxsi %get3A_77, %max3A_79 : vector<16xi32>
      %min3A_81 = arith.constant 63 : i32
      %min3A_82 = vector.broadcast %min3A_81 : i32 to vector<16xi32>
      %min3A_83 = arith.minsi %max3A_80, %min3A_82 : vector<16xi32>
      %gt3A_84 = arith.constant 0 : i32
      %gt3A_85 = vector.broadcast %gt3A_84 : i32 to vector<16xi32>
      %gt3A_86 = arith.cmpi sgt, %broadcast_in_dim3A_6, %gt3A_85 : vector<16xi32>
      tpu.vector_store_idx %arg5[%min3A_83], %broadcast_in_dim3A_6 masked %gt3A_86 : memref<64xi32, #tpu.memory_space<vmem>>[vector<16xi32>], vector<16xi32>, vector<16xi1>
      %get3A_87 = arith.constant 112 : index
      %get3A_88 = tpu.vector_load %arg4[%get3A_87] {strides = array<i32>} : memref<128xi32, #tpu.memory_space<vmem>>, vector<16xi32>,
      %max3A_89 = arith.constant 0 : i32
      %max3A_90 = vector.broadcast %max3A_89 : i32 to vector<16xi32>
      %max3A_91 = arith.maxsi %get3A_88, %max3A_90 : vector<16xi32>
      %min3A_92 = arith.constant 63 : i32
      %min3A_93 = vector.broadcast %min3A_92 : i32 to vector<16xi32>
      %min3A_94 = arith.minsi %max3A_91, %min3A_93 : vector<16xi32>
      %gt3A_95 = arith.constant 0 : i32
      %gt3A_96 = vector.broadcast %gt3A_95 : i32 to vector<16xi32>
      %gt3A_97 = arith.cmpi sgt, %broadcast_in_dim3A_6, %gt3A_96 : vector<16xi32>
      tpu.vector_store_idx %arg5[%min3A_94], %broadcast_in_dim3A_6 masked %gt3A_97 : memref<64xi32, #tpu.memory_space<vmem>>[vector<16xi32>], vector<16xi32>, vector<16xi1>
      %iota3A = tpu.iota {dimensions = array<i32: 0>} : vector<16xi32>
      %get3A_98 = arith.constant 0 : index
      %get3A_99 = tpu.vector_load %arg5[%get3A_98] {strides = array<i32>} : memref<64xi32, #tpu.memory_space<vmem>>, vector<16xi32>,
      %broadcast_in_dim3A_100 = arith.constant true
      %broadcast_in_dim3A_101 = vector.broadcast %broadcast_in_dim3A_100 : i1 to vector<16xi1>
      %masked_cumsum3A = tpu.scan <sum>, %get3A_99 masked %broadcast_in_dim3A_101 : vector<16xi32>, vector<16xi1> -> vector<16xi32>
      %sub3A = arith.subi %masked_cumsum3A, %get3A_99 : vector<16xi32>
      %add3A = arith.constant 0 : i32
      %add3A_102 = vector.broadcast %add3A : i32 to vector<16xi32>
      %add3A_103 = arith.addi %sub3A, %add3A_102 : vector<16xi32>
      %reduce_sum3A = arith.constant true
      %reduce_sum3A_104 = vector.broadcast %reduce_sum3A : i1 to vector<16xi1>
      %reduce_sum3A_105 = tpu.scan <sum>, %get3A_99 masked %reduce_sum3A_104 : vector<16xi32>, vector<16xi1> -> vector<16xi32>
      %reduce_sum3A_106 = vector.extract %reduce_sum3A_105[15] : i32 from vector<16xi32>
      %add3A_107 = arith.constant 0 : i32
      %add3A_108 = arith.addi %add3A_107, %reduce_sum3A_106 : i32
      %gt3A_109 = arith.constant 0 : i32
      %gt3A_110 = vector.broadcast %gt3A_109 : i32 to vector<16xi32>
      %gt3A_111 = arith.cmpi sgt, %get3A_99, %gt3A_110 : vector<16xi32>
      %add3A_112 = arith.constant 0 : i32
      %add3A_113 = vector.broadcast %add3A_112 : i32 to vector<16xi32>
      %add3A_114 = arith.addi %iota3A, %add3A_113 : vector<16xi32>
      %jit3A = arith.constant -1 : i32
      %broadcast_in_dim3A_115 = vector.broadcast %jit3A : i32 to vector<16xi32>
      %select_n3A = arith.select %gt3A_111, %add3A_114, %broadcast_in_dim3A_115 : vector<16xi1>, vector<16xi32>
      %reduce_max3A = arith.constant true
      %reduce_max3A_116 = vector.broadcast %reduce_max3A : i1 to vector<16xi1>
      %reduce_max3A_117 = arith.constant -2147483648 : i32
      %reduce_max3A_118 = vector.broadcast %reduce_max3A_117 : i32 to vector<16xi32>
      %reduce_max3A_119 = arith.xori %select_n3A, %reduce_max3A_118 : vector<16xi32>
      %reduce_max3A_120 = tpu.scan <max>, %reduce_max3A_119 masked %reduce_max3A_116 : vector<16xi32>, vector<16xi1> -> vector<16xi32>
      %reduce_max3A_121 = arith.xori %reduce_max3A_120, %reduce_max3A_118 : vector<16xi32>
      %reduce_max3A_122 = vector.extract %reduce_max3A_121[15] : i32 from vector<16xi32>
      %max3A_123 = arith.constant 0 : i32
      %max3A_124 = arith.maxsi %max3A_123, %reduce_max3A_122 : i32
      %get3A_125 = arith.constant 16 : index
      %get3A_126 = tpu.vector_load %arg5[%get3A_125] {strides = array<i32>} : memref<64xi32, #tpu.memory_space<vmem>>, vector<16xi32>,
      %broadcast_in_dim3A_127 = arith.constant true
      %broadcast_in_dim3A_128 = vector.broadcast %broadcast_in_dim3A_127 : i1 to vector<16xi1>
      %masked_cumsum3A_129 = tpu.scan <sum>, %get3A_126 masked %broadcast_in_dim3A_128 : vector<16xi32>, vector<16xi1> -> vector<16xi32>
      %sub3A_130 = arith.subi %masked_cumsum3A_129, %get3A_126 : vector<16xi32>
      %add3A_131 = vector.broadcast %add3A_108 : i32 to vector<16xi32>
      %add3A_132 = arith.addi %sub3A_130, %add3A_131 : vector<16xi32>
      %reduce_sum3A_133 = arith.constant true
      %reduce_sum3A_134 = vector.broadcast %reduce_sum3A_133 : i1 to vector<16xi1>
      %reduce_sum3A_135 = tpu.scan <sum>, %get3A_126 masked %reduce_sum3A_134 : vector<16xi32>, vector<16xi1> -> vector<16xi32>
      %reduce_sum3A_136 = vector.extract %reduce_sum3A_135[15] : i32 from vector<16xi32>
      %add3A_137 = arith.addi %add3A_108, %reduce_sum3A_136 : i32
      %gt3A_138 = arith.constant 0 : i32
      %gt3A_139 = vector.broadcast %gt3A_138 : i32 to vector<16xi32>
      %gt3A_140 = arith.cmpi sgt, %get3A_126, %gt3A_139 : vector<16xi32>
      %add3A_141 = arith.constant 16 : i32
      %add3A_142 = vector.broadcast %add3A_141 : i32 to vector<16xi32>
      %add3A_143 = arith.addi %iota3A, %add3A_142 : vector<16xi32>
      %jit3A_144 = arith.constant -1 : i32
      %broadcast_in_dim3A_145 = vector.broadcast %jit3A_144 : i32 to vector<16xi32>
      %select_n3A_146 = arith.select %gt3A_140, %add3A_143, %broadcast_in_dim3A_145 : vector<16xi1>, vector<16xi32>
      %reduce_max3A_147 = arith.constant true
      %reduce_max3A_148 = vector.broadcast %reduce_max3A_147 : i1 to vector<16xi1>
      %reduce_max3A_149 = arith.constant -2147483648 : i32
      %reduce_max3A_150 = vector.broadcast %reduce_max3A_149 : i32 to vector<16xi32>
      %reduce_max3A_151 = arith.xori %select_n3A_146, %reduce_max3A_150 : vector<16xi32>
      %reduce_max3A_152 = tpu.scan <max>, %reduce_max3A_151 masked %reduce_max3A_148 : vector<16xi32>, vector<16xi1> -> vector<16xi32>
      %reduce_max3A_153 = arith.xori %reduce_max3A_152, %reduce_max3A_150 : vector<16xi32>
      %reduce_max3A_154 = vector.extract %reduce_max3A_153[15] : i32 from vector<16xi32>
      %max3A_155 = arith.maxsi %max3A_124, %reduce_max3A_154 : i32
      %get3A_156 = arith.constant 32 : index
      %get3A_157 = tpu.vector_load %arg5[%get3A_156] {strides = array<i32>} : memref<64xi32, #tpu.memory_space<vmem>>, vector<16xi32>,
      %broadcast_in_dim3A_158 = arith.constant true
      %broadcast_in_dim3A_159 = vector.broadcast %broadcast_in_dim3A_158 : i1 to vector<16xi1>
      %masked_cumsum3A_160 = tpu.scan <sum>, %get3A_157 masked %broadcast_in_dim3A_159 : vector<16xi32>, vector<16xi1> -> vector<16xi32>
      %sub3A_161 = arith.subi %masked_cumsum3A_160, %get3A_157 : vector<16xi32>
      %add3A_162 = vector.broadcast %add3A_137 : i32 to vector<16xi32>
      %add3A_163 = arith.addi %sub3A_161, %add3A_162 : vector<16xi32>
      %reduce_sum3A_164 = arith.constant true
      %reduce_sum3A_165 = vector.broadcast %reduce_sum3A_164 : i1 to vector<16xi1>
      %reduce_sum3A_166 = tpu.scan <sum>, %get3A_157 masked %reduce_sum3A_165 : vector<16xi32>, vector<16xi1> -> vector<16xi32>
      %reduce_sum3A_167 = vector.extract %reduce_sum3A_166[15] : i32 from vector<16xi32>
      %add3A_168 = arith.addi %add3A_137, %reduce_sum3A_167 : i32
      %gt3A_169 = arith.constant 0 : i32
      %gt3A_170 = vector.broadcast %gt3A_169 : i32 to vector<16xi32>
      %gt3A_171 = arith.cmpi sgt, %get3A_157, %gt3A_170 : vector<16xi32>
      %add3A_172 = arith.constant 32 : i32
      %add3A_173 = vector.broadcast %add3A_172 : i32 to vector<16xi32>
      %add3A_174 = arith.addi %iota3A, %add3A_173 : vector<16xi32>
      %jit3A_175 = arith.constant -1 : i32
      %broadcast_in_dim3A_176 = vector.broadcast %jit3A_175 : i32 to vector<16xi32>
      %select_n3A_177 = arith.select %gt3A_171, %add3A_174, %broadcast_in_dim3A_176 : vector<16xi1>, vector<16xi32>
      %reduce_max3A_178 = arith.constant true
      %reduce_max3A_179 = vector.broadcast %reduce_max3A_178 : i1 to vector<16xi1>
      %reduce_max3A_180 = arith.constant -2147483648 : i32
      %reduce_max3A_181 = vector.broadcast %reduce_max3A_180 : i32 to vector<16xi32>
      %reduce_max3A_182 = arith.xori %select_n3A_177, %reduce_max3A_181 : vector<16xi32>
      %reduce_max3A_183 = tpu.scan <max>, %reduce_max3A_182 masked %reduce_max3A_179 : vector<16xi32>, vector<16xi1> -> vector<16xi32>
      %reduce_max3A_184 = arith.xori %reduce_max3A_183, %reduce_max3A_181 : vector<16xi32>
      %reduce_max3A_185 = vector.extract %reduce_max3A_184[15] : i32 from vector<16xi32>
      %max3A_186 = arith.maxsi %max3A_155, %reduce_max3A_185 : i32
      %get3A_187 = arith.constant 48 : index
      %get3A_188 = tpu.vector_load %arg5[%get3A_187] {strides = array<i32>} : memref<64xi32, #tpu.memory_space<vmem>>, vector<16xi32>,
      %broadcast_in_dim3A_189 = arith.constant true
      %broadcast_in_dim3A_190 = vector.broadcast %broadcast_in_dim3A_189 : i1 to vector<16xi1>
      %masked_cumsum3A_191 = tpu.scan <sum>, %get3A_188 masked %broadcast_in_dim3A_190 : vector<16xi32>, vector<16xi1> -> vector<16xi32>
      %sub3A_192 = arith.subi %masked_cumsum3A_191, %get3A_188 : vector<16xi32>
      %add3A_193 = vector.broadcast %add3A_168 : i32 to vector<16xi32>
      %add3A_194 = arith.addi %sub3A_192, %add3A_193 : vector<16xi32>
      %reduce_sum3A_195 = arith.constant true
      %reduce_sum3A_196 = vector.broadcast %reduce_sum3A_195 : i1 to vector<16xi1>
      %reduce_sum3A_197 = tpu.scan <sum>, %get3A_188 masked %reduce_sum3A_196 : vector<16xi32>, vector<16xi1> -> vector<16xi32>
      %reduce_sum3A_198 = vector.extract %reduce_sum3A_197[15] : i32 from vector<16xi32>
      %add3A_199 = arith.addi %add3A_168, %reduce_sum3A_198 : i32
      %gt3A_200 = arith.constant 0 : i32
      %gt3A_201 = vector.broadcast %gt3A_200 : i32 to vector<16xi32>
      %gt3A_202 = arith.cmpi sgt, %get3A_188, %gt3A_201 : vector<16xi32>
      %add3A_203 = arith.constant 48 : i32
      %add3A_204 = vector.broadcast %add3A_203 : i32 to vector<16xi32>
      %add3A_205 = arith.addi %iota3A, %add3A_204 : vector<16xi32>
      %jit3A_206 = arith.constant -1 : i32
      %broadcast_in_dim3A_207 = vector.broadcast %jit3A_206 : i32 to vector<16xi32>
      %select_n3A_208 = arith.select %gt3A_202, %add3A_205, %broadcast_in_dim3A_207 : vector<16xi1>, vector<16xi32>
      %reduce_max3A_209 = arith.constant true
      %reduce_max3A_210 = vector.broadcast %reduce_max3A_209 : i1 to vector<16xi1>
      %reduce_max3A_211 = arith.constant -2147483648 : i32
      %reduce_max3A_212 = vector.broadcast %reduce_max3A_211 : i32 to vector<16xi32>
      %reduce_max3A_213 = arith.xori %select_n3A_208, %reduce_max3A_212 : vector<16xi32>
      %reduce_max3A_214 = tpu.scan <max>, %reduce_max3A_213 masked %reduce_max3A_210 : vector<16xi32>, vector<16xi1> -> vector<16xi32>
      %reduce_max3A_215 = arith.xori %reduce_max3A_214, %reduce_max3A_212 : vector<16xi32>
      %reduce_max3A_216 = vector.extract %reduce_max3A_215[15] : i32 from vector<16xi32>
      %max3A_217 = arith.maxsi %max3A_186, %reduce_max3A_216 : i32
      %broadcast_in_dim3A_218 = vector.broadcast %max3A_217 : i32 to vector<16xi32>
      %swap3A_219 = arith.constant 0 : index
      %swap3A_220 = tpu.vector_load %arg6[%swap3A_219] {strides = array<i32>} : memref<80xi32, #tpu.memory_space<vmem>>, vector<16xi32>,
      tpu.vector_store %arg6[%swap3A_219], %broadcast_in_dim3A_218 {strides = array<i32>} : memref<80xi32, #tpu.memory_space<vmem>>, vector<16xi32>,
      %broadcast_in_dim3A_221 = vector.broadcast %max3A_217 : i32 to vector<16xi32>
      %swap3A_222 = arith.constant 16 : index
      %swap3A_223 = tpu.vector_load %arg6[%swap3A_222] {strides = array<i32>} : memref<80xi32, #tpu.memory_space<vmem>>, vector<16xi32>,
      tpu.vector_store %arg6[%swap3A_222], %broadcast_in_dim3A_221 {strides = array<i32>} : memref<80xi32, #tpu.memory_space<vmem>>, vector<16xi32>,
      %broadcast_in_dim3A_224 = vector.broadcast %max3A_217 : i32 to vector<16xi32>
      %swap3A_225 = arith.constant 32 : index
      %swap3A_226 = tpu.vector_load %arg6[%swap3A_225] {strides = array<i32>} : memref<80xi32, #tpu.memory_space<vmem>>, vector<16xi32>,
      tpu.vector_store %arg6[%swap3A_225], %broadcast_in_dim3A_224 {strides = array<i32>} : memref<80xi32, #tpu.memory_space<vmem>>, vector<16xi32>,
      %broadcast_in_dim3A_227 = vector.broadcast %max3A_217 : i32 to vector<16xi32>
      %swap3A_228 = arith.constant 48 : index
      %swap3A_229 = tpu.vector_load %arg6[%swap3A_228] {strides = array<i32>} : memref<80xi32, #tpu.memory_space<vmem>>, vector<16xi32>,
      tpu.vector_store %arg6[%swap3A_228], %broadcast_in_dim3A_227 {strides = array<i32>} : memref<80xi32, #tpu.memory_space<vmem>>, vector<16xi32>,
      %add3A_230 = arith.constant 0 : i32
      %add3A_231 = vector.broadcast %add3A_230 : i32 to vector<16xi32>
      %add3A_232 = arith.addi %iota3A, %add3A_231 : vector<16xi32>
      %gt3A_233 = arith.constant 0 : i32
      %gt3A_234 = vector.broadcast %gt3A_233 : i32 to vector<16xi32>
      %gt3A_235 = arith.cmpi sgt, %get3A_99, %gt3A_234 : vector<16xi32>
      tpu.vector_store_idx %arg6[%add3A_103], %add3A_232 masked %gt3A_235 : memref<80xi32, #tpu.memory_space<vmem>>[vector<16xi32>], vector<16xi32>, vector<16xi1>
      %add3A_236 = arith.constant 16 : i32
      %add3A_237 = vector.broadcast %add3A_236 : i32 to vector<16xi32>
      %add3A_238 = arith.addi %iota3A, %add3A_237 : vector<16xi32>
      %gt3A_239 = arith.constant 0 : i32
      %gt3A_240 = vector.broadcast %gt3A_239 : i32 to vector<16xi32>
      %gt3A_241 = arith.cmpi sgt, %get3A_126, %gt3A_240 : vector<16xi32>
      tpu.vector_store_idx %arg6[%add3A_132], %add3A_238 masked %gt3A_241 : memref<80xi32, #tpu.memory_space<vmem>>[vector<16xi32>], vector<16xi32>, vector<16xi1>
      %add3A_242 = arith.constant 32 : i32
      %add3A_243 = vector.broadcast %add3A_242 : i32 to vector<16xi32>
      %add3A_244 = arith.addi %iota3A, %add3A_243 : vector<16xi32>
      %gt3A_245 = arith.constant 0 : i32
      %gt3A_246 = vector.broadcast %gt3A_245 : i32 to vector<16xi32>
      %gt3A_247 = arith.cmpi sgt, %get3A_157, %gt3A_246 : vector<16xi32>
      tpu.vector_store_idx %arg6[%add3A_163], %add3A_244 masked %gt3A_247 : memref<80xi32, #tpu.memory_space<vmem>>[vector<16xi32>], vector<16xi32>, vector<16xi1>
      %add3A_248 = arith.constant 48 : i32
      %add3A_249 = vector.broadcast %add3A_248 : i32 to vector<16xi32>
      %add3A_250 = arith.addi %iota3A, %add3A_249 : vector<16xi32>
      %gt3A_251 = arith.constant 0 : i32
      %gt3A_252 = vector.broadcast %gt3A_251 : i32 to vector<16xi32>
      %gt3A_253 = arith.cmpi sgt, %get3A_188, %gt3A_252 : vector<16xi32>
      tpu.vector_store_idx %arg6[%add3A_194], %add3A_250 masked %gt3A_253 : memref<80xi32, #tpu.memory_space<vmem>>[vector<16xi32>], vector<16xi32>, vector<16xi1>
      %broadcast_in_dim3A_254 = vector.broadcast %add3A_199 : i32 to vector<16xi32>
      %swap3A_255 = arith.constant 64 : index
      %swap3A_256 = tpu.vector_load %arg6[%swap3A_255] {strides = array<i32>} : memref<80xi32, #tpu.memory_space<vmem>>, vector<16xi32>,
      tpu.vector_store %arg6[%swap3A_255], %broadcast_in_dim3A_254 {strides = array<i32>} : memref<80xi32, #tpu.memory_space<vmem>>, vector<16xi32>,
      tpu.enqueue_dma source(%arg6 : memref<80xi32, #tpu.memory_space<vmem>>) target(%arg3 : memref<80xi32, #tpu.memory_space<hbm>>) target_semaphore(%arg7 : memref<!tpu.dma_semaphore, #tpu.memory_space<semaphore_mem>>)
      tpu.wait_dma2 semaphore(%arg7 : memref<!tpu.dma_semaphore, #tpu.memory_space<semaphore_mem>>) src(%arg6 : memref<80xi32, #tpu.memory_space<vmem>>) dst(%arg3 : memref<80xi32, #tpu.memory_space<hbm>>)
    } else {
    }
    return
  }
}

module attributes {stable_mosaic.version = 14 : i64} {
  func.func @_expert_body(%arg0: i32, %arg1: memref<80xi32, #tpu.memory_space<smem>>, %arg2: memref<64x768xf32, #tpu.memory_space<vmem>>, %arg3: memref<64x1xi32, #tpu.memory_space<vmem>>, %arg4: memref<64x1xi32, #tpu.memory_space<vmem>>, %arg5: memref<64x1xf32, #tpu.memory_space<vmem>>, %arg6: memref<64x1xf32, #tpu.memory_space<vmem>>, %arg7: memref<1x768x768xf32, #tpu.memory_space<vmem>>, %arg8: memref<1x768x768xf32, #tpu.memory_space<vmem>>, %arg9: memref<1x768x768xf32, #tpu.memory_space<vmem>>, %arg10: memref<64x768xf32, #tpu.memory_space<vmem>>) attributes {dimension_semantics = [#tpu.dimension_semantics<arbitrary>], iteration_bounds = array<i64: -9223372036854775808>, scalar_prefetch = 1 : i64, scratch_operands = 0 : i64, tpu.core_type = #tpu.core_type<tc>, window_params = [{pipeline_mode = #tpu.pipeline_mode<synchronous>, transform_indices = @transform_0, window_bounds = array<i64: 64, 768>}, {pipeline_mode = #tpu.pipeline_mode<synchronous>, transform_indices = @transform_1, window_bounds = array<i64: 64, 1>}, {pipeline_mode = #tpu.pipeline_mode<synchronous>, transform_indices = @transform_2, window_bounds = array<i64: 64, 1>}, {pipeline_mode = #tpu.pipeline_mode<synchronous>, transform_indices = @transform_3, window_bounds = array<i64: 64, 1>}, {pipeline_mode = #tpu.pipeline_mode<synchronous>, transform_indices = @transform_4, window_bounds = array<i64: 64, 1>}, {transform_indices = @transform_5, window_bounds = array<i64: 1, 768, 768>}, {transform_indices = @transform_6, window_bounds = array<i64: 1, 768, 768>}, {transform_indices = @transform_7, window_bounds = array<i64: 1, 768, 768>}, {pipeline_mode = #tpu.pipeline_mode<synchronous>, transform_indices = @transform_8, window_bounds = array<i64: 64, 768>}]} {
    %eq3A = arith.constant 0 : i32
    %eq3A_0 = arith.cmpi eq, %arg0, %eq3A : i32
    %convert_element_type3A = arith.extui %eq3A_0 : i1 to i32
    %cond3A = arith.constant 0 : i32
    %cond3A_1 = arith.cmpi ne, %convert_element_type3A, %cond3A : i32
    scf.if %cond3A_1 {
      %broadcast_in_dim3A_59 = arith.constant 0.000000e+00 : f32
      %broadcast_in_dim3A_60 = vector.broadcast %broadcast_in_dim3A_59 : f32 to vector<64x768xf32>
      %swap3A_61 = arith.constant 0 : index
      %swap3A_62 = arith.constant 0 : index
      %swap3A_63 = vector.load %arg10[%swap3A_61, %swap3A_62] : memref<64x768xf32, #tpu.memory_space<vmem>>, vector<64x768xf32>
      tpu.vector_store %arg10[%swap3A_61, %swap3A_62], %broadcast_in_dim3A_60 {strides = array<i32>} : memref<64x768xf32, #tpu.memory_space<vmem>>, vector<64x768xf32>,
    } else {
    }
    %get3A = arith.index_cast %arg0 : i32 to index
    %get3A_2 = memref.load %arg1[%get3A] : memref<80xi32, #tpu.memory_space<smem>>
    %get3A_3 = arith.constant 0 : index
    %get3A_4 = arith.constant 0 : index
    %get3A_5 = vector.load %arg2[%get3A_3, %get3A_4] : memref<64x768xf32, #tpu.memory_space<vmem>>, vector<64x768xf32>
    %get3A_6 = arith.constant 0 : index
    %get3A_7 = arith.constant 0 : index
    %get3A_8 = arith.constant 0 : index
    %get3A_9 = vector.load %arg7[%get3A_6, %get3A_7, %get3A_8] : memref<1x768x768xf32, #tpu.memory_space<vmem>>, vector<1x768x768xf32>
    %get3A_10 = vector.shape_cast %get3A_9 : vector<1x768x768xf32> to vector<768x768xf32>
    %get3A_11 = arith.constant 0 : index
    %get3A_12 = arith.constant 0 : index
    %get3A_13 = arith.constant 0 : index
    %get3A_14 = vector.load %arg8[%get3A_11, %get3A_12, %get3A_13] : memref<1x768x768xf32, #tpu.memory_space<vmem>>, vector<1x768x768xf32>
    %get3A_15 = vector.shape_cast %get3A_14 : vector<1x768x768xf32> to vector<768x768xf32>
    %get3A_16 = arith.constant 0 : index
    %get3A_17 = arith.constant 0 : index
    %get3A_18 = arith.constant 0 : index
    %get3A_19 = vector.load %arg9[%get3A_16, %get3A_17, %get3A_18] : memref<1x768x768xf32, #tpu.memory_space<vmem>>, vector<1x768x768xf32>
    %get3A_20 = vector.shape_cast %get3A_19 : vector<1x768x768xf32> to vector<768x768xf32>
    %dot_general3A = arith.constant dense<0.000000e+00> : vector<64x768xf32>
    %dot_general3A_21 = tpu.matmul %get3A_5, %get3A_10, %dot_general3A {dimension_numbers = #tpu.dot_dimension_numbers<[1], [1], [0], [0], [0, 0, 1, 0], [], []>, transpose_lhs_hint = false} : vector<64x768xf32>, vector<768x768xf32>, vector<64x768xf32> -> vector<64x768xf32>
    %dot_general3A_22 = arith.constant dense<0.000000e+00> : vector<64x768xf32>
    %dot_general3A_23 = tpu.matmul %get3A_5, %get3A_15, %dot_general3A_22 {dimension_numbers = #tpu.dot_dimension_numbers<[1], [1], [0], [0], [0, 0, 1, 0], [], []>, transpose_lhs_hint = false} : vector<64x768xf32>, vector<768x768xf32>, vector<64x768xf32> -> vector<64x768xf32>
    %logistic3A = arith.negf %dot_general3A_21 : vector<64x768xf32>
    %logistic3A_24 = math.exp %logistic3A : vector<64x768xf32>
    %logistic3A_25 = arith.constant 1.000000e+00 : f32
    %logistic3A_26 = vector.broadcast %logistic3A_25 : f32 to vector<64x768xf32>
    %logistic3A_27 = arith.addf %logistic3A_26, %logistic3A_24 : vector<64x768xf32>
    %logistic3A_28 = arith.divf %logistic3A_26, %logistic3A_27 : vector<64x768xf32>
    %mul3A = arith.mulf %dot_general3A_21, %logistic3A_28 : vector<64x768xf32>
    %mul3A_29 = arith.mulf %mul3A, %dot_general3A_23 : vector<64x768xf32>
    %dot_general3A_30 = arith.constant dense<0.000000e+00> : vector<64x768xf32>
    %dot_general3A_31 = tpu.matmul %mul3A_29, %get3A_20, %dot_general3A_30 {dimension_numbers = #tpu.dot_dimension_numbers<[1], [1], [0], [0], [0, 0, 1, 0], [], []>, transpose_lhs_hint = false} : vector<64x768xf32>, vector<768x768xf32>, vector<64x768xf32> -> vector<64x768xf32>
    %get3A_32 = arith.constant 0 : index
    %get3A_33 = arith.constant 0 : index
    %get3A_34 = vector.load %arg3[%get3A_32, %get3A_33] : memref<64x1xi32, #tpu.memory_space<vmem>>, vector<64x1xi32>
    %eq3A_35 = vector.broadcast %get3A_2 : i32 to vector<64x1xi32>
    %eq3A_36 = arith.cmpi eq, %get3A_34, %eq3A_35 : vector<64x1xi32>
    %get3A_37 = arith.constant 0 : index
    %get3A_38 = arith.constant 0 : index
    %get3A_39 = vector.load %arg5[%get3A_37, %get3A_38] : memref<64x1xf32, #tpu.memory_space<vmem>>, vector<64x1xf32>
    %jit3A = arith.constant 0.000000e+00 : f32
    %broadcast_in_dim3A = vector.broadcast %jit3A : f32 to vector<64x1xf32>
    %select_n3A = arith.select %eq3A_36, %get3A_39, %broadcast_in_dim3A : vector<64x1xi1>, vector<64x1xf32>
    %get3A_40 = arith.constant 0 : index
    %get3A_41 = arith.constant 0 : index
    %get3A_42 = vector.load %arg4[%get3A_40, %get3A_41] : memref<64x1xi32, #tpu.memory_space<vmem>>, vector<64x1xi32>
    %eq3A_43 = vector.broadcast %get3A_2 : i32 to vector<64x1xi32>
    %eq3A_44 = arith.cmpi eq, %get3A_42, %eq3A_43 : vector<64x1xi32>
    %get3A_45 = arith.constant 0 : index
    %get3A_46 = arith.constant 0 : index
    %get3A_47 = vector.load %arg6[%get3A_45, %get3A_46] : memref<64x1xf32, #tpu.memory_space<vmem>>, vector<64x1xf32>
    %jit3A_48 = arith.constant 0.000000e+00 : f32
    %broadcast_in_dim3A_49 = vector.broadcast %jit3A_48 : f32 to vector<64x1xf32>
    %select_n3A_50 = arith.select %eq3A_44, %get3A_47, %broadcast_in_dim3A_49 : vector<64x1xi1>, vector<64x1xf32>
    %add3A = arith.addf %select_n3A, %select_n3A_50 : vector<64x1xf32>
    %get3A_51 = arith.constant 0 : index
    %get3A_52 = arith.constant 0 : index
    %get3A_53 = vector.load %arg10[%get3A_51, %get3A_52] : memref<64x768xf32, #tpu.memory_space<vmem>>, vector<64x768xf32>
    %mul3A_54 = vector.broadcast %add3A : vector<64x1xf32> to vector<64x768xf32>
    %mul3A_55 = arith.mulf %mul3A_54, %dot_general3A_31 : vector<64x768xf32>
    %add3A_56 = arith.addf %get3A_53, %mul3A_55 : vector<64x768xf32>
    %swap3A = arith.constant 0 : index
    %swap3A_57 = arith.constant 0 : index
    %swap3A_58 = vector.load %arg10[%swap3A, %swap3A_57] : memref<64x768xf32, #tpu.memory_space<vmem>>, vector<64x768xf32>
    tpu.vector_store %arg10[%swap3A, %swap3A_57], %add3A_56 {strides = array<i32>} : memref<64x768xf32, #tpu.memory_space<vmem>>, vector<64x768xf32>,
    return
  }
  func.func @transform_0(%arg0: i32, %arg1: memref<80xi32, #tpu.memory_space<smem>>) -> (i32, i32) {
    %c0_i32 = arith.constant 0 : i32
    %c0_i32_0 = arith.constant 0 : i32
    %c0_i32_1 = arith.constant 0 : i32
    return %c0_i32, %c0_i32_0 : i32, i32
  }
  func.func @transform_1(%arg0: i32, %arg1: memref<80xi32, #tpu.memory_space<smem>>) -> (i32, i32) {
    %c0_i32 = arith.constant 0 : i32
    %c0_i32_0 = arith.constant 0 : i32
    %c0_i32_1 = arith.constant 0 : i32
    return %c0_i32, %c0_i32_0 : i32, i32
  }
  func.func @transform_2(%arg0: i32, %arg1: memref<80xi32, #tpu.memory_space<smem>>) -> (i32, i32) {
    %c0_i32 = arith.constant 0 : i32
    %c0_i32_0 = arith.constant 0 : i32
    %c0_i32_1 = arith.constant 0 : i32
    return %c0_i32, %c0_i32_0 : i32, i32
  }
  func.func @transform_3(%arg0: i32, %arg1: memref<80xi32, #tpu.memory_space<smem>>) -> (i32, i32) {
    %c0_i32 = arith.constant 0 : i32
    %c0_i32_0 = arith.constant 0 : i32
    %c0_i32_1 = arith.constant 0 : i32
    return %c0_i32, %c0_i32_0 : i32, i32
  }
  func.func @transform_4(%arg0: i32, %arg1: memref<80xi32, #tpu.memory_space<smem>>) -> (i32, i32) {
    %c0_i32 = arith.constant 0 : i32
    %c0_i32_0 = arith.constant 0 : i32
    %c0_i32_1 = arith.constant 0 : i32
    return %c0_i32, %c0_i32_0 : i32, i32
  }
  func.func @transform_5(%arg0: i32, %arg1: memref<80xi32, #tpu.memory_space<smem>>) -> (i32, i32, i32) {
    %get3A = arith.index_cast %arg0 : i32 to index
    %get3A_0 = memref.load %arg1[%get3A] : memref<80xi32, #tpu.memory_space<smem>>
    %c0_i32 = arith.constant 0 : i32
    %c0_i32_1 = arith.constant 0 : i32
    %c0_i32_2 = arith.constant 0 : i32
    return %get3A_0, %c0_i32, %c0_i32_1 : i32, i32, i32
  }
  func.func @transform_6(%arg0: i32, %arg1: memref<80xi32, #tpu.memory_space<smem>>) -> (i32, i32, i32) {
    %get3A = arith.index_cast %arg0 : i32 to index
    %get3A_0 = memref.load %arg1[%get3A] : memref<80xi32, #tpu.memory_space<smem>>
    %c0_i32 = arith.constant 0 : i32
    %c0_i32_1 = arith.constant 0 : i32
    %c0_i32_2 = arith.constant 0 : i32
    return %get3A_0, %c0_i32, %c0_i32_1 : i32, i32, i32
  }
  func.func @transform_7(%arg0: i32, %arg1: memref<80xi32, #tpu.memory_space<smem>>) -> (i32, i32, i32) {
    %get3A = arith.index_cast %arg0 : i32 to index
    %get3A_0 = memref.load %arg1[%get3A] : memref<80xi32, #tpu.memory_space<smem>>
    %c0_i32 = arith.constant 0 : i32
    %c0_i32_1 = arith.constant 0 : i32
    %c0_i32_2 = arith.constant 0 : i32
    return %get3A_0, %c0_i32, %c0_i32_1 : i32, i32, i32
  }
  func.func @transform_8(%arg0: i32, %arg1: memref<80xi32, #tpu.memory_space<smem>>) -> (i32, i32) {
    %c0_i32 = arith.constant 0 : i32
    %c0_i32_0 = arith.constant 0 : i32
    %c0_i32_1 = arith.constant 0 : i32
    return %c0_i32, %c0_i32_0 : i32, i32
  }
}

module attributes {stable_mosaic.version = 14 : i64} {
  func.func @_router_body(%arg0: memref<64x768xf32, #tpu.memory_space<vmem>>, %arg1: memref<64x768xf32, #tpu.memory_space<vmem>>, %arg2: memref<128x1xi32, #tpu.memory_space<vmem>>, %arg3: memref<64x1xi32, #tpu.memory_space<vmem>>, %arg4: memref<64x1xi32, #tpu.memory_space<vmem>>, %arg5: memref<64x1xf32, #tpu.memory_space<vmem>>, %arg6: memref<64x1xf32, #tpu.memory_space<vmem>>, %arg7: memref<1x1xf32, #tpu.memory_space<vmem>>) attributes {dimension_semantics = [], scalar_prefetch = 0 : i64, scratch_operands = 0 : i64, tpu.core_type = #tpu.core_type<tc>} {
    %get3A = arith.constant 0 : index
    %get3A_0 = arith.constant 0 : index
    %get3A_1 = vector.load %arg0[%get3A, %get3A_0] : memref<64x768xf32, #tpu.memory_space<vmem>>, vector<64x768xf32>
    %get3A_2 = arith.constant 0 : index
    %get3A_3 = arith.constant 0 : index
    %get3A_4 = vector.load %arg1[%get3A_2, %get3A_3] : memref<64x768xf32, #tpu.memory_space<vmem>>, vector<64x768xf32>
    %dot_general3A = arith.constant dense<0.000000e+00> : vector<64x64xf32>
    %dot_general3A_5 = tpu.matmul %get3A_1, %get3A_4, %dot_general3A {dimension_numbers = #tpu.dot_dimension_numbers<[1], [1], [0], [0], [0, 0, 1, 0], [], []>, transpose_lhs_hint = false} : vector<64x768xf32>, vector<64x768xf32>, vector<64x64xf32> -> vector<64x64xf32>
    %reduce_max3A = arith.constant dense<0xFF800000> : vector<64xf32>
    %reduce_max3A_6 = vector.multi_reduction <maximumf>, %dot_general3A_5, %reduce_max3A [1] : vector<64x64xf32> to vector<64xf32>
    %broadcast_in_dim3A = vector.shape_cast %reduce_max3A_6 : vector<64xf32> to vector<64x1xf32>
    %sub3A = vector.broadcast %broadcast_in_dim3A : vector<64x1xf32> to vector<64x64xf32>
    %sub3A_7 = arith.subf %dot_general3A_5, %sub3A : vector<64x64xf32>
    %exp3A = math.exp %sub3A_7 : vector<64x64xf32>
    %reduce_sum3A = arith.constant dense<0.000000e+00> : vector<64xf32>
    %reduce_sum3A_8 = vector.multi_reduction <add>, %exp3A, %reduce_sum3A [1] : vector<64x64xf32> to vector<64xf32>
    %broadcast_in_dim3A_9 = vector.shape_cast %reduce_sum3A_8 : vector<64xf32> to vector<64x1xf32>
    %div3A = vector.broadcast %broadcast_in_dim3A_9 : vector<64x1xf32> to vector<64x64xf32>
    %div3A_10 = arith.divf %exp3A, %div3A : vector<64x64xf32>
    %iota3A = tpu.iota {dimensions = array<i32: 1>} : vector<64x64xi32>
    %reduce_max3A_11 = arith.constant dense<0xFF800000> : vector<64xf32>
    %reduce_max3A_12 = vector.multi_reduction <maximumf>, %div3A_10, %reduce_max3A_11 [1] : vector<64x64xf32> to vector<64xf32>
    %broadcast_in_dim3A_13 = vector.shape_cast %reduce_max3A_12 : vector<64xf32> to vector<64x1xf32>
    %eq3A = vector.broadcast %broadcast_in_dim3A_13 : vector<64x1xf32> to vector<64x64xf32>
    %eq3A_14 = arith.cmpf oeq, %div3A_10, %eq3A : vector<64x64xf32>
    %jit3A = arith.constant 64 : i32
    %broadcast_in_dim3A_15 = vector.broadcast %jit3A : i32 to vector<64x64xi32>
    %select_n3A = arith.select %eq3A_14, %iota3A, %broadcast_in_dim3A_15 : vector<64x64xi1>, vector<64x64xi32>
    %reduce_min3A = arith.constant dense<2147483647> : vector<64xi32>
    %reduce_min3A_16 = vector.multi_reduction <minsi>, %select_n3A, %reduce_min3A [1] : vector<64x64xi32> to vector<64xi32>
    %broadcast_in_dim3A_17 = vector.shape_cast %reduce_min3A_16 : vector<64xi32> to vector<64x1xi32>
    %eq3A_18 = vector.broadcast %broadcast_in_dim3A_17 : vector<64x1xi32> to vector<64x64xi32>
    %eq3A_19 = arith.cmpi eq, %iota3A, %eq3A_18 : vector<64x64xi32>
    %jit3A_20 = arith.constant -1.000000e+00 : f32
    %broadcast_in_dim3A_21 = vector.broadcast %jit3A_20 : f32 to vector<64x64xf32>
    %select_n3A_22 = arith.select %eq3A_19, %broadcast_in_dim3A_21, %div3A_10 : vector<64x64xi1>, vector<64x64xf32>
    %reduce_max3A_23 = arith.constant dense<0xFF800000> : vector<64xf32>
    %reduce_max3A_24 = vector.multi_reduction <maximumf>, %select_n3A_22, %reduce_max3A_23 [1] : vector<64x64xf32> to vector<64xf32>
    %broadcast_in_dim3A_25 = vector.shape_cast %reduce_max3A_24 : vector<64xf32> to vector<64x1xf32>
    %eq3A_26 = vector.broadcast %broadcast_in_dim3A_25 : vector<64x1xf32> to vector<64x64xf32>
    %eq3A_27 = arith.cmpf oeq, %select_n3A_22, %eq3A_26 : vector<64x64xf32>
    %jit3A_28 = arith.constant 64 : i32
    %broadcast_in_dim3A_29 = vector.broadcast %jit3A_28 : i32 to vector<64x64xi32>
    %select_n3A_30 = arith.select %eq3A_27, %iota3A, %broadcast_in_dim3A_29 : vector<64x64xi1>, vector<64x64xi32>
    %reduce_min3A_31 = arith.constant dense<2147483647> : vector<64xi32>
    %reduce_min3A_32 = vector.multi_reduction <minsi>, %select_n3A_30, %reduce_min3A_31 [1] : vector<64x64xi32> to vector<64xi32>
    %broadcast_in_dim3A_33 = vector.shape_cast %reduce_min3A_32 : vector<64xi32> to vector<64x1xi32>
    %add3A = arith.addf %broadcast_in_dim3A_13, %broadcast_in_dim3A_25 : vector<64x1xf32>
    %swap3A = arith.constant 0 : index
    %swap3A_34 = arith.constant 0 : index
    %swap3A_35 = vector.load %arg2[%swap3A, %swap3A_34] : memref<128x1xi32, #tpu.memory_space<vmem>>, vector<64x1xi32>
    tpu.vector_store %arg2[%swap3A, %swap3A_34], %broadcast_in_dim3A_17 {strides = array<i32>} : memref<128x1xi32, #tpu.memory_space<vmem>>, vector<64x1xi32>,
    %swap3A_36 = arith.constant 64 : index
    %swap3A_37 = arith.constant 0 : index
    %swap3A_38 = vector.load %arg2[%swap3A_36, %swap3A_37] : memref<128x1xi32, #tpu.memory_space<vmem>>, vector<64x1xi32>
    tpu.vector_store %arg2[%swap3A_36, %swap3A_37], %broadcast_in_dim3A_33 {strides = array<i32>} : memref<128x1xi32, #tpu.memory_space<vmem>>, vector<64x1xi32>,
    %swap3A_39 = arith.constant 0 : index
    %swap3A_40 = arith.constant 0 : index
    %swap3A_41 = vector.load %arg3[%swap3A_39, %swap3A_40] : memref<64x1xi32, #tpu.memory_space<vmem>>, vector<64x1xi32>
    tpu.vector_store %arg3[%swap3A_39, %swap3A_40], %broadcast_in_dim3A_17 {strides = array<i32>} : memref<64x1xi32, #tpu.memory_space<vmem>>, vector<64x1xi32>,
    %swap3A_42 = arith.constant 0 : index
    %swap3A_43 = arith.constant 0 : index
    %swap3A_44 = vector.load %arg4[%swap3A_42, %swap3A_43] : memref<64x1xi32, #tpu.memory_space<vmem>>, vector<64x1xi32>
    tpu.vector_store %arg4[%swap3A_42, %swap3A_43], %broadcast_in_dim3A_33 {strides = array<i32>} : memref<64x1xi32, #tpu.memory_space<vmem>>, vector<64x1xi32>,
    %div3A_45 = arith.divf %broadcast_in_dim3A_13, %add3A : vector<64x1xf32>
    %swap3A_46 = arith.constant 0 : index
    %swap3A_47 = arith.constant 0 : index
    %swap3A_48 = vector.load %arg5[%swap3A_46, %swap3A_47] : memref<64x1xf32, #tpu.memory_space<vmem>>, vector<64x1xf32>
    tpu.vector_store %arg5[%swap3A_46, %swap3A_47], %div3A_45 {strides = array<i32>} : memref<64x1xf32, #tpu.memory_space<vmem>>, vector<64x1xf32>,
    %div3A_49 = arith.divf %broadcast_in_dim3A_25, %add3A : vector<64x1xf32>
    %swap3A_50 = arith.constant 0 : index
    %swap3A_51 = arith.constant 0 : index
    %swap3A_52 = vector.load %arg6[%swap3A_50, %swap3A_51] : memref<64x1xf32, #tpu.memory_space<vmem>>, vector<64x1xf32>
    tpu.vector_store %arg6[%swap3A_50, %swap3A_51], %div3A_49 {strides = array<i32>} : memref<64x1xf32, #tpu.memory_space<vmem>>, vector<64x1xf32>,
    %eq3A_53 = vector.broadcast %broadcast_in_dim3A_17 : vector<64x1xi32> to vector<64x64xi32>
    %eq3A_54 = arith.cmpi eq, %iota3A, %eq3A_53 : vector<64x64xi32>
    %convert_element_type3A = arith.extui %eq3A_54 : vector<64x64xi1> to vector<64x64xi32>
    %convert_element_type3A_55 = arith.sitofp %convert_element_type3A : vector<64x64xi32> to vector<64x64xf32>
    %reduce_sum3A_56 = arith.constant dense<0.000000e+00> : vector<64xf32>
    %reduce_sum3A_57 = vector.multi_reduction <add>, %convert_element_type3A_55, %reduce_sum3A_56 [0] : vector<64x64xf32> to vector<64xf32>
    %broadcast_in_dim3A_58 = vector.shape_cast %reduce_sum3A_57 : vector<64xf32> to vector<1x64xf32>
    %div3A_59 = arith.constant 6.400000e+01 : f32
    %div3A_60 = vector.broadcast %div3A_59 : f32 to vector<1x64xf32>
    %div3A_61 = arith.divf %broadcast_in_dim3A_58, %div3A_60 : vector<1x64xf32>
    %reduce_sum3A_62 = arith.constant dense<0.000000e+00> : vector<64xf32>
    %reduce_sum3A_63 = vector.multi_reduction <add>, %div3A_10, %reduce_sum3A_62 [0] : vector<64x64xf32> to vector<64xf32>
    %broadcast_in_dim3A_64 = vector.shape_cast %reduce_sum3A_63 : vector<64xf32> to vector<1x64xf32>
    %div3A_65 = arith.constant 6.400000e+01 : f32
    %div3A_66 = vector.broadcast %div3A_65 : f32 to vector<1x64xf32>
    %div3A_67 = arith.divf %broadcast_in_dim3A_64, %div3A_66 : vector<1x64xf32>
    %mul3A = arith.mulf %div3A_61, %div3A_67 : vector<1x64xf32>
    %reduce_sum3A_68 = vector.shape_cast %mul3A : vector<1x64xf32> to vector<1x1x64xf32>
    %reduce_sum3A_69 = arith.constant dense<0.000000e+00> : vector<1xf32>
    %reduce_sum3A_70 = vector.multi_reduction <add>, %reduce_sum3A_68, %reduce_sum3A_69 [1, 2] : vector<1x1x64xf32> to vector<1xf32>
    %reduce_sum3A_71 = vector.shape_cast %reduce_sum3A_70 : vector<1xf32> to vector<1x1x1xf32>
    %reduce_sum3A_72 = vector.extract %reduce_sum3A_71[0, 0, 0] : f32 from vector<1x1x1xf32>
    %broadcast_in_dim3A_73 = vector.broadcast %reduce_sum3A_72 : f32 to vector<1x1xf32>
    %mul3A_74 = arith.constant 6.400000e+01 : f32
    %mul3A_75 = vector.broadcast %mul3A_74 : f32 to vector<1x1xf32>
    %mul3A_76 = arith.mulf %broadcast_in_dim3A_73, %mul3A_75 : vector<1x1xf32>
    %swap3A_77 = arith.constant 0 : index
    %swap3A_78 = arith.constant 0 : index
    %swap3A_79 = vector.load %arg7[%swap3A_77, %swap3A_78] : memref<1x1xf32, #tpu.memory_space<vmem>>, vector<1x1xf32>
    tpu.vector_store %arg7[%swap3A_77, %swap3A_78], %mul3A_76 {strides = array<i32>} : memref<1x1xf32, #tpu.memory_space<vmem>>, vector<1x1xf32>,
    return
  }
}

</mosaic_0001>

<sc_bundles>
// kernel: kernel.5.cloned.1.call-start
scs
__scs_entry_jumppad:
0x0: {  	(pc) =	sbr.rel $0x88, $3  }
0x1: {  	(tag) =	ssettag $0x0;
	lr =	simm.s32 $0x1  }
0x2: {  	[smem:$0x3F9C] =	sst lr;
	_ =	strace $0xD0000000  }
0x3: {  	_ = 	snop  }
0x4: {  	_ = 	snop  }
0x5: {  	_ = 	snop  }
0x6: {  	_ = 	snop  }
0x7: {  	_ = 	snop  }
__scs_overlays_trampoline_lowered:
0x8: {  	[smem:$0x3FAB] =	sst s0  }
0x9: {  	[smem:$0x3FAC] =	sst s1  }
0xa: {  	[smem:$0x3FAD] =	sst s2  }
0xb: {  	[smem:$0x3FAE] =	sst s3  }
0xc: {  	[smem:$0x3FAF] =	sst s4  }
0xd: {  	[smem:$0x3FB0] =	sst s5  }
0xe: {  	[smem:$0x3FB1] =	sst s6  }
0xf: {  	[smem:$0x3FB2] =	sst s7  }
0x10: {  	[smem:$0x3FB3] =	sst s8  }
0x11: {  	[smem:$0x3FB4] =	sst s9;
	s0 =	simm.s32 @!p0 $0x0  }
0x12: {  	s1 =	sld [smem:$0x3F9A];
	s0 =	simm.s32 @p0 $0x1  }
0x13: {  	[smem:$0x3FB5] =	sst s0;
	s0 =	simm.s32 @!p1 $0x0  }
0x14: {  	s2 =	sld [smem:$0x3F99];
	s0 =	simm.s32 @p1 $0x1  }
0x15: {  	[smem:$0x3FB6] =	sst s0;
	s0 =	simm.s32 @!p2 $0x0  }
0x16: {  	s3 =	sld [smem:$0x3FDB];
	s0 =	simm.s32 @p2 $0x1  }
0x17: {  	s4 =	simm.s32 $0x1BF5;
	[smem:$0x3FB8] =	sst s0  }
0x18: {  	s0 =	sld [smem:$0x3F9B];
	_ =	swait.ge [sflag:s4], $0x0  }
0x19: {  	s7 =	sld [smem:$0x3F9C]  }
0x1a: {  	s8 =	sadd.s32 $0xFFFFE003, lr  }
0x1b: {  	s9 =	sadd.s32 $0xFFFFFEF7, lr;
	s5 =	simm.s32 $0xFFFFFFFF;
	p2 =	slt.u32 s8, $0xFFFFF086  }
0x1c: {  	p1 =	slt.u32 s9, $0xF7A;
	s5 =	simm.s32 @!p2 $0x0  }
0x1d: {  	s5 =	simm.s32 @p1 $0x1;
	p0 =	seq.s32 s7, s2  }
0x1e: {  	s7 =	smul.u32 @!p0 $0xF7A, s2;
	p2 =	seq.s32 @!p0 s5, $0x0  }
0x1f: {  	s9 =	smul.u32 $0xF7A, s1;
	s8 =	simm.s32 @!p0 $0x1BF5;
	p2 =	por !p2, p0  }
0x20: {  	[sflag:s8] =	ssyncset.s32 @!p0 $0xFFFFF086;
	s6 =	sadd.s32 @!p0 s3, s7;
	s7 =	simm.s32 @!p0 $0x108  }
0x21: {  	s3 =	sadd.s32 s3, s9;
	s6 =	sadd.s32 @!p0 $0x88, s6;
	s7 =	simm.s32 @p2 $0x1082  }
0x22: {  	[simem:s7], [sflag:s8] =	dma.local @!p0 [hbm:s6], $0xF7A  }
0x23: {  	s9 =	sor.u32 $0xD0000000, s2;
	s6 =	simm.s32 $0x108;
	_ =	swait.ge @!p0 [sflag:s8], $0x0  }
0x24: {  	s3 =	sadd.s32 $0x88, s3;
	s6 =	simm.s32 @!p1 $0x1082;
	[sflag:s4] =	ssyncset.s32 $0xFFFFF086  }
0x25: {  	[simem:s6], [sflag:s4] =	dma.local [hbm:s3], $0xF7A  }
0x26: {  	[smem:$0x3F9C] =	sst s1;
	(tag) =	ssettag s2;
	_ =	strace s9  }
0x27: {  	s1 =	sld [smem:$0x3FAC]  }
0x28: {  	s2 =	sld [smem:$0x3FAD]  }
0x29: {  	s4 =	sld [smem:$0x3FAF]  }
0x2a: {  	p0 =	seq.s32 s5, $0x0;
	s5 =	sld [smem:$0x3FB0]  }
0x2b: {  	s6 =	sld [smem:$0x3FB1]  }
0x2c: {  	s7 =	sld [smem:$0x3FB2]  }
0x2d: {  	s3 =	simm.s32 $0x108;
	s8 =	sld [smem:$0x3FB3]  }
0x2e: {  	s3 =	simm.s32 @!p0 $0x1082;
	s9 =	sld [smem:$0x3FB4]  }
0x2f: {  	lr =	sadd.s32 s0, s3;
	s0 =	sld [smem:$0x3FAB]  }
0x30: {  	s3 =	sld [smem:$0x3FAE]  }
0x31: {  	[smem:$0x3FB7] =	sst s10  }
0x32: {  	s10 =	sld [smem:$0x3FB5];
	_ =	sdelay $0x3  }
0x33: {  	p0 =	seq.s32 s10, $0x1;
	s10 =	sld [smem:$0x3FB7];
	_ =	sdelay $0x3  }
0x34: {  	[smem:$0x3FB7] =	sst s10  }
0x35: {  	s10 =	sld [smem:$0x3FB6];
	_ =	sdelay $0x3  }
0x36: {  	p1 =	seq.s32 s10, $0x1;
	s10 =	sld [smem:$0x3FB7];
	_ =	sdelay $0x3  }
0x37: {  	[smem:$0x3FB7] =	sst s10  }
0x38: {  	s10 =	sld [smem:$0x3FB8]  }
0x39: {  	_ = 	snop;
	(pc) =	sbr.ind lr, $3  }
0x3a: {  	_ = 	snop  }
0x3b: {  	_ = 	snop  }
0x3c: {  	p2 =	seq.s32 s10, $0x1;
	s10 =	sld [smem:$0x3FB7]  }
0x3d: {  	_ =	shalt  }
0x3e: {  	_ =	shalt  }
0x3f: {  	_ =	shalt  }
0x40: {  	_ =	shalt  }
0x41: {  	_ =	shalt  }
0x42: {  	_ =	shalt  }
0x43: {  	_ =	shalt  }
0x44: {  	_ =	shalt  }
0x45: {  	_ =	shalt  }
0x46: {  	_ =	shalt  }
0x47: {  	_ =	shalt  }
0x48: {  	_ =	shalt  }
0x49: {  	_ =	shalt  }
0x4a: {  	_ =	shalt  }
0x4b: {  	_ =	shalt  }
0x4c: {  	_ =	shalt  }
0x4d: {  	_ =	shalt  }
0x4e: {  	_ =	shalt  }
0x4f: {  	_ =	shalt  }
0x50: {  	_ =	shalt  }
0x51: {  	_ =	shalt  }
0x52: {  	_ =	shalt  }
0x53: {  	_ =	shalt  }
0x54: {  	_ =	shalt  }
0x55: {  	_ =	shalt  }
0x56: {  	_ =	shalt  }
0x57: {  	_ =	shalt  }
0x58: {  	_ =	shalt  }
0x59: {  	_ =	shalt  }
0x5a: {  	_ =	shalt  }
0x5b: {  	_ =	shalt  }
0x5c: {  	_ =	shalt  }
0x5d: {  	_ =	shalt  }
0x5e: {  	_ =	shalt  }
0x5f: {  	_ =	shalt  }
0x60: {  	_ =	shalt  }
0x61: {  	_ =	shalt  }
0x62: {  	_ =	shalt  }
0x63: {  	_ =	shalt  }
0x64: {  	_ =	shalt  }
0x65: {  	_ =	shalt  }
0x66: {  	_ =	shalt  }
0x67: {  	_ =	shalt  }
0x68: {  	_ =	shalt  }
0x69: {  	_ =	shalt  }
0x6a: {  	_ =	shalt  }
0x6b: {  	_ =	shalt  }
0x6c: {  	_ =	shalt  }
0x6d: {  	_ =	shalt  }
0x6e: {  	_ =	shalt  }
0x6f: {  	_ =	shalt  }
0x70: {  	_ =	shalt  }
0x71: {  	_ =	shalt  }
0x72: {  	_ =	shalt  }
0x73: {  	_ =	shalt  }
0x74: {  	_ =	shalt  }
0x75: {  	_ =	shalt  }
0x76: {  	_ =	shalt  }
0x77: {  	_ =	shalt  }
0x78: {  	_ =	shalt  }
0x79: {  	_ =	shalt  }
0x7a: {  	_ =	shalt  }
0x7b: {  	_ =	shalt  }
0x7c: {  	_ =	shalt  }
0x7d: {  	_ =	shalt  }
0x7e: {  	_ =	shalt  }
0x7f: {  	_ =	shalt  }
0x80: {  	_ =	shalt  }
0x81: {  	_ =	shalt  }
0x82: {  	_ =	shalt  }
0x83: {  	_ =	shalt  }
0x84: {  	_ =	shalt  }
0x85: {  	_ =	shalt  }
0x86: {  	_ =	shalt  }
0x87: {  	_ =	shalt  }
.Lfunc_end0:
.L_simem_size_0:
called_computation_lowered:
.L_overlay_start_0:
0x88: {  	s2 =	sld [smem:$0x3FD9]  }
0x89: {  	s3 =	sld [smem:$0x3FFE];
	_ =	sdelay $0x1  }
0x8a: {  	s1 =	srdreg.scid  }
0x8b: {  	s0 =	sand.u32 $0x1, s1  }
0x8c: {  	s14 =	sshll.u32 s0, $0xA;
	s2 =	sadd.s32 s3, s2  }
0x8d: {  	s2 =	sadd.s32 s2, s14  }
0x8e: {  	[smem:$0x3FC3] =	sst s2  }
0x8f: {  	_ = 	snop  }
0x90: {  	s2 =	sld [smem:$0x3FD0];
	_ =	sdelay $0x2  }
0x91: {  	s15 =	simm.s32 $0xA;
	s4 =	simm.s32 $0x10  }
0x92: {  	[smem:s4], [sflag:s15] =	dma.local [hbm:s2], $0x1  }
0x93: {  	_ =	swait.eq [sflag:s15], $0x1  }
0x94: {  	[sflag:s15] =	ssyncset.done $0x0  }
0x95: {  	[sflag:s15] =	ssyncadd.s32 $0xFFFFFFFF  }
0x96: {  	s16 =	sld [smem:$0x10];
	(tm) =	ssettm $0x1  }
0x97: {  	s17 =	sld [smem:$0x3FFB];
	_ =	sdelay $0x3  }
0x98: {  	_ =	strace s17  }
0x99: {  	s3 =	sld [smem:$0x3FFC];
	_ =	sdelay $0x3  }
0x9a: {  	_ =	strace s3  }
0x9b: {  	s3 =	sld [smem:$0x3FFD];
	_ =	sdelay $0x3  }
0x9c: {  	_ =	strace s3  }
0x9d: {  	_ =	strace $0x8FFFFFFF  }
0x9e: {  	s18 =	sld [smem:$0x3FDB];
	_ =	sdelay $0x1  }
0x9f: {  	s19 =	simm.s32 $_scs_section_size  }
0xa0: {  	s5 =	simm.s32 $_size__tile_overlayer_lowered;
	s6 =	simm.s32 $_tile_overlayer_lowered  }
0xa1: {  	s22 =	simm.s32 $0x1BFF;
	s21 =	sshll.u32 s6, $0x1;
	s3 =	sadd.s32 s19, s18  }
0xa2: {  	s7 =	simm.s32 $0x0;
	s20 =	sshll.u32 s5, $0x1;
	s5 =	sadd.s32 s21, s3  }
0xa3: {  	[timem:s7], [sflag:s22] =	dma.local [hbm:s5], s20  }
0xa4: {  	_ =	swait.ge [sflag:s22], s20  }
0xa5: {  	s4 =	ssub.s32 $0x0, s20;
	[sflag:s22] =	ssyncset.done $0x0  }
0xa6: {  	[sflag:s22] =	ssyncadd.s32 s4;
	_ =	sdelay $0x1  }
0xa7: {  	s23 =	simm.s32 $0x1B8B  }
0xa8: {  	_ =	swait.ge [sflag:s23], $0x1  }
0xa9: {  	[sflag:s23] =	ssyncset.done $0x0  }
0xaa: {  	s25 =	simm.s32 $0x1B8E;
	s24 =	sld [smem:$0x3FFE];
	[sflag:s23] =	ssyncadd.s32 $0xFFFFFFFF  }
0xab: {  	s26 =	simm.s32 $execute0_lowered;
	[smem:$0x3FD2] =	sst s25  }
0xac: {  	s5 =	sshll.u32 s26, $0x1;
	_ =	strace $0x80000046;
	[dreg:$0x1] =	wrdreg $0xFFFFFFFF  }
0xad: {  	s28 =	simm.s32 $_size_execute0_lowered;
	s3 =	sadd.s32 s3, s5;
	[dreg:$0x0] =	wrdreg $0x0  }
0xae: {  	s5 =	sshll.u32 s28, $0x1;
	[dreg:$0x2] =	wrdreg s3  }
0xaf: {  	[dreg:$0x3] =	wrdreg s5  }
0xb0: {  	[dreg:$0x4] =	wrdreg $0xC0  }
0xb1: {  	_ =	task [dreg:s7], $0x5FFFF  }
0xb2: {  	[dreg:$0x1] =	wrdreg $0xFFFFFFFF  }
0xb3: {  	[dreg:$0x0] =	wrdreg $0x60  }
0xb4: {  	[dreg:$0x2] =	wrdreg s16  }
0xb5: {  	[dreg:$0x3] =	wrdreg s24  }
0xb6: {  	[dreg:$0x4] =	wrdreg $0x9  }
0xb7: {  	_ =	task.clear_ibuf [dreg:s7], $0x5FFFF;
	_ =	strace $0x90000046  }
0xb8: {  	s29 =	simm.s32 $0x9;
	_ =	strace $0x80000048  }
0xb9: {  	_ =	swait.ge [sflag:s29], $0x1  }
0xba: {  	[sflag:s29] =	ssyncadd.s32 $0xFFFFFFFF  }
0xbb: {  	_ =	strace $0x90000048  }
0xbc: {  	_ =	sfence  }
0xbd: {  	s30 =	sld [smem:$0x0];
	_ =	sdelay $0x2  }
0xbe: {  	s31 =	sshll.u32 s1, $0xD;
	s1 =	sshrl.u32 s1, $0x2  }
0xbf: {  	s3 =	sand.u32 $0x4000, s31;
	s1 =	sadd.s32 s1, s30  }
0xc0: {  	s0 =	sor.u32 s3, s0;
	s1 =	sshll.u32 s1, $0x11  }
0xc1: {  	s0 =	sor.u32 s1, s0  }
0xc2: {  	s0 =	sadd.s32 $0x8F2B, s0  }
0xc3: {  	[sflag:s0] =	ssyncadd.remote.s32 $0x1  }
0xc4: {  	_ =	sfence.sel $0xFFFF  }
0xc5: {  	[dreg:$0x0] =	wrdreg $0xFFFFFFFF;
	(pc) =	sbr.abs _section_cstart, $3  }
0xc6: {  	[dreg:$0x1] =	wrdreg $0xFFFFFFFF  }
0xc7: {  	_ =	task.clear_ibuf [dreg:s7], $0x2FFFF;
	_ =	strace $0x9FFFFFFF  }
0xc8: {  	(tm) =	ssettm $0x7FFFFFFF  }
0xc9: {  	_ =	shalt  }
tec
execute0_lowered:
.L_overlay_start_1:
0x0: {  	(tag) =	ssettag $0x1  }
0x1: {  	s0 =	srdreg.scid  }
0x2: {  	s4 =	sand.u32 $0x1, s0;
	s0 =	stileid.u32  }
0x3: {  	s5 =	sor.u32 s0, s4  }
0x4: {  	p0 =	sne.s32 s5, $0x0  }
.Ltmp0:
0x5: {  	_ = 	snop;
	(pc) =	sbr.rel @p0 .LBB2_3-.Ltmp0, $4  }
0x6: {  	_ = 	snop  }
0x7: {  	s2 =	rddreg [dreg:$0x0]  }
0x8: {  	s3 =	rddreg [dreg:$0x1]  }
0x9: {  	s1 =	rddreg [dreg:$0x2];
	_ =	strace $0x80000047  }
0xa: {  	v0 =	vlaneseq.u32  }
0xb: {  	s4 =	ssub.s32 $0x2, s4;
	s3 =	sadd.s32 $0xA00, s3;
	v1 =	vimm.s32 $0x0;
	v2 =	vimm.s32 $0x1;
	s6 =	simm.s32 $0x2;
	v3 =	vor.u32 $0x80000000, v0  }
0xc: {  	s7 =	simm.s32 $0x80;
	s8 =	simm.s32 $0x100;
	s5 =	sshrl.u32 s4, $0x1;
	v4 =	vor.u32 $0x80000010, v0;
	v5 =	vor.u32 $0x80000020, v0;
	v6 =	vor.u32 $0x80000030, v0  }
0xd: {  	s9 =	simm.s32 $0x1;
	v7 =	vor.u32 $0x10, v0;
	v8 =	vor.u32 $0x20, v0;
	v9 =	vor.u32 $0x30, v0;
	s4 =	ssub.s32 s4, s5;
	s5 =	simm.s32 $0x0  }
.LBB2_2:
0xe: {  	[tilespmem:s5], [sflag:$0x2] =	stream.linear.gather [hbm4b:s2+s5], $0x80, $0x38;
	[tilespmem:$0x180] =	vst v63  }
0xf: {  	_ =	swait.ge [sflag:s6], $0x80  }
0x10: {  	[sflag:s6] =	ssyncset.done $0x0  }
0x11: {  	[sflag:s6] =	ssyncadd.s32 $0xFFFFFF80  }
0x12: {  	v10 =	vld [tilespmem:$0x0];
	_ =	sdelay $0x4  }
0x13: {  	vm0 =	vgt.s32 v10, $0x0  }
0x14: {  	v10 =	vnsel vm0, $0x0, v10  }
0x15: {  	v10 =	vmin.u32 v10, $0x3F  }
0x16: {  	[tilespmem:$0x80] =	vst v1  }
0x17: {  	[tilespmem:$0x90] =	vst v1  }
0x18: {  	[tilespmem:$0xA0] =	vst v1  }
0x19: {  	[tilespmem:$0xB0] =	vst v1  }
0x1a: {  	[tilespmem:v10+s7+$0x0] =	vst.idx.msk $0xffff, v2  }
0x1b: {  	v10 =	vld [tilespmem:$0x10];
	_ =	sdelay $0x4  }
0x1c: {  	vm8 =	vgt.s32 v10, $0x0  }
0x1d: {  	v10 =	vnsel vm8, $0x0, v10  }
0x1e: {  	v10 =	vmin.u32 v10, $0x3F;
	_ =	sdelay $0x4  }
0x1f: {  	[tilespmem:v10+s7+$0x0] =	vst.idx.msk $0xffff, v2  }
0x20: {  	v10 =	vld [tilespmem:$0x20];
	_ =	sdelay $0x4  }
0x21: {  	vm9 =	vgt.s32 v10, $0x0  }
0x22: {  	v10 =	vnsel vm9, $0x0, v10  }
0x23: {  	v10 =	vmin.u32 v10, $0x3F;
	_ =	sdelay $0x4  }
0x24: {  	[tilespmem:v10+s7+$0x0] =	vst.idx.msk $0xffff, v2  }
0x25: {  	v10 =	vld [tilespmem:$0x30];
	_ =	sdelay $0x4  }
0x26: {  	vm10 =	vgt.s32 v10, $0x0  }
0x27: {  	v10 =	vnsel vm10, $0x0, v10  }
0x28: {  	v10 =	vmin.u32 v10, $0x3F;
	_ =	sdelay $0x4  }
0x29: {  	[tilespmem:v10+s7+$0x0] =	vst.idx.msk $0xffff, v2  }
0x2a: {  	v10 =	vld [tilespmem:$0x40];
	_ =	sdelay $0x4  }
0x2b: {  	vm11 =	vgt.s32 v10, $0x0  }
0x2c: {  	v10 =	vnsel vm11, $0x0, v10  }
0x2d: {  	v10 =	vmin.u32 v10, $0x3F;
	_ =	sdelay $0x4  }
0x2e: {  	[tilespmem:v10+s7+$0x0] =	vst.idx.msk $0xffff, v2  }
0x2f: {  	v10 =	vld [tilespmem:$0x50];
	_ =	sdelay $0x4  }
0x30: {  	vm12 =	vgt.s32 v10, $0x0  }
0x31: {  	v10 =	vnsel vm12, $0x0, v10  }
0x32: {  	v10 =	vmin.u32 v10, $0x3F;
	_ =	sdelay $0x4  }
0x33: {  	[tilespmem:v10+s7+$0x0] =	vst.idx.msk $0xffff, v2  }
0x34: {  	v10 =	vld [tilespmem:$0x60];
	_ =	sdelay $0x4  }
0x35: {  	vm13 =	vgt.s32 v10, $0x0  }
0x36: {  	v10 =	vnsel vm13, $0x0, v10  }
0x37: {  	v10 =	vmin.u32 v10, $0x3F;
	_ =	sdelay $0x4  }
0x38: {  	[tilespmem:v10+s7+$0x0] =	vst.idx.msk $0xffff, v2  }
0x39: {  	v10 =	vld [tilespmem:$0x70];
	_ =	sdelay $0x4  }
0x3a: {  	vm14 =	vgt.s32 v10, $0x0  }
0x3b: {  	v10 =	vnsel vm14, $0x0, v10  }
0x3c: {  	v10 =	vmin.u32 v10, $0x3F;
	_ =	sdelay $0x4  }
0x3d: {  	[tilespmem:v10+s7+$0x0] =	vst.idx.msk $0xffff, v2  }
0x3e: {  	v10 =	vld [tilespmem:$0x80];
	_ =	sdelay $0x1  }
0x3f: {  	v11 =	vld [tilespmem:$0x90];
	_ =	sdelay $0x1  }
0x40: {  	v12 =	vld [tilespmem:$0xA0]  }
0x41: {  	vm15 =	vgt.s32 v10, $0x0  }
0x42: {  	v14 =	vld [tilespmem:$0xB0];
	(xrf0) =	vadd.scan.msk.s32 $0xffff, v10;
	v13 =	vnsel vm15, $0x7FFFFFFF, v3  }
0x43: {  	vm1 =	vgt.s32 v11, $0x0;
	(xrf0) =	vmax.scan.msk.u32 $0xffff, v13  }
0x44: {  	v55 =	vnsel vm1, $0x7FFFFFFF, v4;
	(xrf0) =	vadd.scan.msk.s32 $0xffff, v11  }
0x45: {  	vm2 =	vgt.s32 v12, $0x0;
	(xrf0) =	vmax.scan.msk.u32 $0xffff, v55  }
0x46: {  	v56 =	vnsel vm2, $0x7FFFFFFF, v5;
	(xrf0) =	vadd.scan.msk.s32 $0xffff, v12  }
0x47: {  	vm3 =	vgt.s32 v14, $0x0;
	(xrf0) =	vmax.scan.msk.u32 $0xffff, v56  }
0x48: {  	v15 =	vnsel vm3, $0x7FFFFFFF, v6;
	v57, _, _ =	vpop (xrf0);
	(xrf0) =	vadd.scan.msk.s32 $0xffff, v14  }
0x49: {  	(v2sf) =	vpush v57, $0xF;
	v16, _, _ =	vpop (xrf0);
	(xrf0) =	vmax.scan.msk.u32 $0xffff, v15  }
0x4a: {  	v58, _, _ =	vpop (xrf0);
	(v2sf) =	vpush v16, $0xF  }
0x4b: {  	v59, _, _ =	vpop (xrf0);
	(v2sf) =	vpush v58, $0xF  }
0x4c: {  	v17, _, _ =	vpop (xrf0);
	(v2sf) =	vpush v59, $0xF  }
0x4d: {  	v60, _, _ =	vpop (xrf0);
	(v2sf) =	vpush v17, $0xF  }
0x4e: {  	v18, _, _ =	vpop (xrf0);
	(v2sf) =	vpush v60, $0xF  }
0x4f: {  	(v2sf) =	vpush v18, $0xF;
	v61, _, _ =	vpop (xrf0)  }
0x50: {  	(v2sf) =	vpush v61, $0xF;
	_ =	sdelay $0x7  }
0x51: {  	s10 =	spop (v2sf)  }
0x52: {  	s11 =	spop (v2sf)  }
0x53: {  	s12 =	spop (v2sf)  }
0x54: {  	s13 =	spop (v2sf)  }
0x55: {  	s11 =	sxor.u32 $0x80000000, s11;
	s14 =	spop (v2sf);
	s13 =	sxor.u32 $0x80000000, s13  }
0x56: {  	s15 =	spop (v2sf);
	p0 =	sgt.s32 s11, s13  }
0x57: {  	s16 =	spop (v2sf);
	s13 =	smov.u32 @p0 s11;
	s11 =	sxor.u32 $0x80000000, s15  }
0x58: {  	p0 =	sgt.s32 s13, s11;
	s31 =	spop (v2sf)  }
0x59: {  	s11 =	smov.u32 @p0 s13;
	s13 =	sxor.u32 $0x80000000, s31  }
0x5a: {  	p0 =	sgt.s32 s11, s13  }
0x5b: {  	s13 =	smov.u32 @p0 s11  }
0x5c: {  	p0 =	sgt.s32 s13, $0x0  }
0x5d: {  	v62 =	vbroadcast v57, $0xF;
	s13 =	simm.s32 @!p0 $0x0  }
0x5e: {  	v10 =	vsub.s32 v57, v10;
	v11 =	vsub.s32 v58, v11;
	v19 =	vmov s13  }
0x5f: {  	v11 =	vadd.s32 v62, v11;
	v12 =	vsub.s32 v17, v12;
	s10 =	sadd.s32 s10, s12;
	[tilespmem:$0x100] =	vst v19  }
0x60: {  	v63 =	vsub.s32 v18, v14;
	v12 =	vadd.s32 s10, v12;
	s10 =	sadd.s32 s14, s10;
	[tilespmem:$0x110] =	vst v19  }
0x61: {  	v13 =	vadd.s32 s10, v63;
	[tilespmem:$0x120] =	vst v19  }
0x62: {  	[tilespmem:$0x130] =	vst v19  }
0x63: {  	[tilespmem:v10+s8+$0x0] =	vst.idx.msk vm15, v0  }
0x64: {  	[tilespmem:v11+s8+$0x0] =	vst.idx.msk vm1, v7  }
0x65: {  	s10 =	sadd.s32 s16, s10;
	[tilespmem:v12+s8+$0x0] =	vst.idx.msk vm2, v8  }
0x66: {  	p0 =	sne.s32 s4, $0x1;
	v10 =	vmov s10;
	[tilespmem:v13+s8+$0x0] =	vst.idx.msk vm3, v9  }
.Ltmp1:
0x67: {  	[tilespmem:$0x140] =	vst v10;
	(pc) =	sbr.rel @p0 .LBB2_2-.Ltmp1, $4  }
0x68: {  	[hbm4b:s3+s5] =	stream.linear.scatter [tilespmem:s8], [sflag:$0x1], $0x80, $0x38;
	[tilespmem:$0x180] =	vst v63  }
0x69: {  	_ =	swait.ge [sflag:s9], $0x80  }
0x6a: {  	[sflag:s9] =	ssyncset.done $0x0  }
0x6b: {  	s4 =	sadd.s32 $0xFFFFFFFF, s4;
	[sflag:s9] =	ssyncadd.s32 $0xFFFFFF80  }
.LBB2_3:
0x6c: {  	_ =	sfence.sel $0x180000  }
0x6d: {  	[bflag:$0x0] =	sbarrier.arrive $0xFFFF  }
0x6e: {  	p0 =	sne.s32 s0, $0x0;
	_ =	strace $0x90000047  }
0x6f: {  	s0 =	sadd.s32 @!p0 $0x100000, s1;
	[bflag:$0x2] =	sbarrier.arrive $0xFFFF  }
0x70: {  	[sflag:s0] =	ssyncadd.tile.s32 @!p0 $0x1;
	_ =	shalt  }
.Lfunc_end2:
_tile_overlayer_lowered:
.L_overlay_start_2:
0x71: {  	(tag) =	ssettag $0x2  }
0x72: {  	s0 =	rddreg [dreg:$0x0];
	s2 =	stileid.u32  }
0x73: {  	s1 =	rddreg [dreg:$0x1];
	p0 =	sne.s32 s2, $0x0  }
0x74: {  	s3 =	rddreg [dreg:$0x2];
	[bflag:$0x3] =	sbarrier.arrive $0xFFFF;
	s2 =	simm.s32 @!p0 $0x1C02  }
0x75: {  	[timem:s3], [sflag:s2] =	dma.local @!p0 [hbm:s0], s1  }
0x76: {  	s0 =	simm.s32 @!p0 $0x2  }
0x77: {  	_ =	swait.ge @!p0 [sflag:s0], s1  }
0x78: {  	s1 =	ssub.s32 @!p0 $0x0, s1;
	[sflag:s0] =	ssyncset.done @!p0 $0x0  }
0x79: {  	[sflag:s0] =	ssyncadd.s32 @!p0 s1  }
0x7a: {  	[bflag:$0x3] =	sbarrier.arrive $0xFFFF  }
0x7b: {  	_ =	shalt  }

</sc_bundles>
